<compile_context>
chip_gen: v7x
topology: tpu7x:2x2x1
jax: 0.10.2.dev20260603
libtpu: 0.0.44.dev20260713+nightly
codegen_flags: <defaults>
</compile_context>

<pallas_src>
import functools

import jax
import jax.numpy as jnp
from jax import lax
from jax.experimental import pallas as pl
from jax.experimental.pallas import tpu as pltpu
from jax.experimental.pallas import tpu_sc as plsc

B, L = 1024, 200
V_WORD, D_WORD = 100000, 300
V_IOB, D_IOB = 5, 16
V_POS, D_POS = 50, 16
V_NER, D_NER = 20, 16
D_MODEL = 512
N_TOK = B * L

_ROWS_BLK = 2000


def _proj_body(w_ref, wr_ref, b_ref, out_ref):
    out_ref[...] = (
        jnp.dot(w_ref[...], wr_ref[...], preferred_element_type=jnp.float32)
        + b_ref[...]
    )


def _comb_body(iob_ref, pos_ref, ner_ref, wri_ref, wrp_ref, wrn_ref, out_ref):
    iob_p = jnp.dot(iob_ref[...], wri_ref[...], preferred_element_type=jnp.float32)
    pos_p = jnp.dot(pos_ref[...], wrp_ref[...], preferred_element_type=jnp.float32)
    ner_p = jnp.dot(ner_ref[...], wrn_ref[...], preferred_element_type=jnp.float32)
    full = (
        iob_p[:, None, None, :]
        + pos_p[None, :, None, :]
        + ner_p[None, None, :, :]
    )
    out_ref[...] = full.reshape(V_IOB * V_POS * V_NER, D_MODEL)


def _build_tables(W_word, W_iob, W_pos, W_ner, W_resize, b_resize):
    wr_word = W_resize[:D_WORD]
    wr_iob = W_resize[D_WORD:D_WORD + D_IOB]
    wr_pos = W_resize[D_WORD + D_IOB:D_WORD + D_IOB + D_POS]
    wr_ner = W_resize[D_WORD + D_IOB + D_POS:]

    wp = pl.pallas_call(
        _proj_body,
        grid=(V_WORD // _ROWS_BLK,),
        in_specs=[
            pl.BlockSpec((_ROWS_BLK, D_WORD), lambda i: (i, 0)),
            pl.BlockSpec((D_WORD, D_MODEL), lambda i: (0, 0)),
            pl.BlockSpec((1, D_MODEL), lambda i: (0, 0)),
        ],
        out_specs=pl.BlockSpec((_ROWS_BLK, D_MODEL), lambda i: (i, 0)),
        out_shape=jax.ShapeDtypeStruct((V_WORD, D_MODEL), jnp.float32),
    )(W_word, wr_word, b_resize.reshape(1, D_MODEL))

    comb = pl.pallas_call(
        _comb_body,
        out_shape=jax.ShapeDtypeStruct((V_IOB * V_POS * V_NER, D_MODEL), jnp.float32),
    )(W_iob, W_pos, W_ner, wr_iob, wr_pos, wr_ner)
    return wp, comb


_NC, _NS, _LN = 2, 16, 16
_NW = _NC * _NS
_RW = N_TOK // _NW
_CHUNK = 64


@functools.cache
def _make_sc_lookup():
    mesh = plsc.VectorSubcoreMesh(core_axis_name="c", subcore_axis_name="s",
                                  num_cores=_NC, num_subcores=_NS)

    @functools.partial(
        pl.kernel,
        out_type=jax.ShapeDtypeStruct((N_TOK, D_MODEL), jnp.float32),
        mesh=mesh,
        scratch_types=[
            pltpu.VMEM((_CHUNK,), jnp.int32),
            pltpu.VMEM((_CHUNK,), jnp.int32),
            pltpu.VMEM((_CHUNK,), jnp.int32),
            pltpu.VMEM((_CHUNK,), jnp.int32),
            pltpu.VMEM((_CHUNK,), jnp.int32),
            pltpu.VMEM((_CHUNK, D_MODEL), jnp.float32),
            pltpu.VMEM((_CHUNK, D_MODEL), jnp.float32),
            pltpu.SemaphoreType.DMA,
        ],
    )
    def _sc_lookup(wid_hbm, iob_hbm, pos_hbm, ner_hbm, wp_hbm, comb_hbm,
                   out_hbm, widv, iobv, posv, nerv, cidxv, rows, rows2, sem):
        w = lax.axis_index("s") * _NC + lax.axis_index("c")
        base = w * _RW

        def step(i, carry):
            off = base + i * _CHUNK
            pltpu.sync_copy(wid_hbm.at[pl.ds(off, _CHUNK)], widv)
            pltpu.sync_copy(iob_hbm.at[pl.ds(off, _CHUNK)], iobv)
            pltpu.sync_copy(pos_hbm.at[pl.ds(off, _CHUNK)], posv)
            pltpu.sync_copy(ner_hbm.at[pl.ds(off, _CHUNK)], nerv)
            for k in range(_CHUNK // _LN):
                s = pl.ds(k * _LN, _LN)
                cidxv[s] = iobv[s] * (V_POS * V_NER) + posv[s] * V_NER + nerv[s]
            cp1 = pltpu.async_copy(wp_hbm.at[widv], rows, sem)
            cp2 = pltpu.async_copy(comb_hbm.at[cidxv], rows2, sem)
            cp1.wait()
            cp2.wait()

            def add_row(r, c):
                for g in range(D_MODEL // _LN):
                    s = pl.ds(g * _LN, _LN)
                    rows[r, s] = rows[r, s] + rows2[r, s]
                return c

            lax.fori_loop(0, _CHUNK, add_row, 0)
            pltpu.sync_copy(rows, out_hbm.at[pl.ds(off, _CHUNK)])
            return carry

        lax.fori_loop(0, _RW // _CHUNK, step, 0)

    return _sc_lookup


def kernel(src_wid, src_iob, src_pos, src_ner, W_word, W_iob, W_pos, W_ner,
           W_resize, b_resize):
    wp, comb = _build_tables(W_word, W_iob, W_pos, W_ner, W_resize, b_resize)
    wid = src_wid.reshape(N_TOK).astype(jnp.int32)
    iob = src_iob.reshape(N_TOK).astype(jnp.int32)
    pos = src_pos.reshape(N_TOK).astype(jnp.int32)
    ner = src_ner.reshape(N_TOK).astype(jnp.int32)
    out = _make_sc_lookup()(wid, iob, pos, ner, wp, comb)
    return out.reshape(B, L, D_MODEL)

# --- scband reference (transcript-rebuilt; emitter-appended) ---
"""Pipeline reference for scband-squ-adqgdict-embedding-23252952940735 (READ-ONLY COPY).

The authoritative reference and input builder live on the scoring server;
editing this copy changes nothing except your own understanding.
"""

import jax, jax.numpy as jnp
import numpy as np

B, L = 1024, 200
V_WORD, D_WORD = 100000, 300
V_IOB, D_IOB = 5, 16
V_POS, D_POS = 50, 16
V_NER, D_NER = 20, 16
D_CAT = D_WORD + D_IOB + D_POS + D_NER  # 348
D_MODEL = 512


def setup_inputs(seed: int = 0) -> dict:
    key = jax.random.key(seed)
    ks = jax.random.split(key, 10)
    src_wid = jax.random.randint(ks[0], (B, L), 0, V_WORD, dtype=jnp.int64 if jax.config.jax_enable_x64 else jnp.int32)
    src_iob = jax.random.randint(ks[1], (B, L), 0, V_IOB, dtype=src_wid.dtype)
    src_pos = jax.random.randint(ks[2], (B, L), 0, V_POS, dtype=src_wid.dtype)
    src_ner = jax.random.randint(ks[3], (B, L), 0, V_NER, dtype=src_wid.dtype)
    W_word = jax.random.normal(ks[4], (V_WORD, D_WORD), dtype=jnp.float32) * 0.02
    W_iob = jax.random.normal(ks[5], (V_IOB, D_IOB), dtype=jnp.float32) * 0.02
    W_pos = jax.random.normal(ks[6], (V_POS, D_POS), dtype=jnp.float32) * 0.02
    W_ner = jax.random.normal(ks[7], (V_NER, D_NER), dtype=jnp.float32) * 0.02
    bound = 1.0 / np.sqrt(D_CAT)
    W_resize = jax.random.uniform(ks[8], (D_CAT, D_MODEL), dtype=jnp.float32, minval=-bound, maxval=bound)
    b_resize = jax.random.uniform(ks[9], (D_MODEL,), dtype=jnp.float32, minval=-bound, maxval=bound)
    return {
        "src_wid": src_wid, "src_iob": src_iob, "src_pos": src_pos, "src_ner": src_ner,
        "W_word": W_word, "W_iob": W_iob, "W_pos": W_pos, "W_ner": W_ner,
        "W_resize": W_resize, "b_resize": b_resize,
    }


def reference(src_wid, src_iob, src_pos, src_ner, W_word, W_iob, W_pos, W_ner, W_resize, b_resize):
    w_embed = jnp.take(W_word, src_wid, axis=0)
    iob_embed = jnp.take(W_iob, src_iob, axis=0)
    pos_embed = jnp.take(W_pos, src_pos, axis=0)
    ner_embed = jnp.take(W_ner, src_ner, axis=0)
    rv = jnp.concatenate([w_embed, iob_embed, pos_embed, ner_embed], axis=2)
    rv = rv @ W_resize + b_resize
    return rv

if __name__ == "__main__":
    import jax
    _d = setup_inputs()
    print(jax.jit(kernel)(*tuple(_d.values())))

</pallas_src>

<mosaic_0001>
#map = affine_map<(d0, d1) -> (0)>
#map1 = affine_map<(d0, d1) -> (0, 0)>
module attributes {stable_mosaic.version = 14 : i64} {
  func.func @_sc_lookup(%arg0: i32, %arg1: i32, %arg2: memref<204800xi32, #tpu.memory_space<hbm>>, %arg3: memref<204800xi32, #tpu.memory_space<hbm>>, %arg4: memref<204800xi32, #tpu.memory_space<hbm>>, %arg5: memref<204800xi32, #tpu.memory_space<hbm>>, %arg6: memref<100000x512xf32, #tpu.memory_space<hbm>>, %arg7: memref<5000x512xf32, #tpu.memory_space<hbm>>, %arg8: memref<204800x512xf32, #tpu.memory_space<hbm>>, %arg9: memref<64xi32, #tpu.memory_space<vmem>>, %arg10: memref<64xi32, #tpu.memory_space<vmem>>, %arg11: memref<64xi32, #tpu.memory_space<vmem>>, %arg12: memref<64xi32, #tpu.memory_space<vmem>>, %arg13: memref<64xi32, #tpu.memory_space<vmem>>, %arg14: memref<64x512xf32, #tpu.memory_space<vmem>>, %arg15: memref<64x512xf32, #tpu.memory_space<vmem>>, %arg16: memref<!tpu.dma_semaphore, #tpu.memory_space<semaphore_mem>>) attributes {dimension_semantics = [#tpu.dimension_semantics<core_parallel>, #tpu.dimension_semantics<subcore_parallel>], iteration_bounds = array<i64: 2, 16>, scalar_prefetch = 0 : i64, scratch_operands = 8 : i64, tpu.core_type = #tpu.core_type<sc_vector_subcore>, window_params = [{transform_indices = #map}, {transform_indices = #map}, {transform_indices = #map}, {transform_indices = #map}, {transform_indices = #map1}, {transform_indices = #map1}, {transform_indices = #map1}]} {
    %mul3A = arith.constant 2 : i32
    %mul3A_0 = arith.muli %arg1, %mul3A : i32
    %add3A = arith.addi %mul3A_0, %arg0 : i32
    %mul3A_1 = arith.constant 6400 : i32
    %mul3A_2 = arith.muli %add3A, %mul3A_1 : i32
    %scan3A = arith.constant 0 : i32
    %scan3A_3 = arith.constant 0 : i32
    %scan3A_4 = arith.constant 100 : i32
    %scan3A_5 = arith.addi %scan3A_3, %scan3A_4 : i32
    %scan3A_6 = arith.constant 1 : i32
    scf.for %scan3A_8 = %scan3A_3 to %scan3A_5 step %scan3A_6  : i32 {
      %mul3A_9 = arith.constant 64 : i32
      %mul3A_10 = arith.muli %scan3A_8, %mul3A_9 : i32
      %add3A_11 = arith.addi %mul3A_2, %mul3A_10 : i32
      "tpu.region"() ({
        %run_scoped3A = tpu.sem_alloc : memref<!tpu.dma_semaphore, #tpu.memory_space<semaphore_mem>>
        %dma_start3A_110 = tpu.memref_slice %arg2[%add3A_11] : memref<204800xi32, #tpu.memory_space<hbm>> -> memref<64xi32, #tpu.memory_space<hbm>>
        %dma_start3A_111 = tpu.memref_slice %arg2[%add3A_11] : memref<204800xi32, #tpu.memory_space<hbm>> -> memref<64xi32, #tpu.memory_space<hbm>>
        tpu.enqueue_dma source(%dma_start3A_111 : memref<64xi32, #tpu.memory_space<hbm>>) target(%arg9 : memref<64xi32, #tpu.memory_space<vmem>>) target_semaphore(%run_scoped3A : memref<!tpu.dma_semaphore, #tpu.memory_space<semaphore_mem>>)
        %dma_wait3A_112 = tpu.memref_slice %arg2[%add3A_11] : memref<204800xi32, #tpu.memory_space<hbm>> -> memref<64xi32, #tpu.memory_space<hbm>>
        %dma_wait3A_113 = tpu.memref_slice %arg2[%add3A_11] : memref<204800xi32, #tpu.memory_space<hbm>> -> memref<64xi32, #tpu.memory_space<hbm>>
        tpu.wait_dma2 semaphore(%run_scoped3A : memref<!tpu.dma_semaphore, #tpu.memory_space<semaphore_mem>>) src(%dma_wait3A_113 : memref<64xi32, #tpu.memory_space<hbm>>) dst(%arg9 : memref<64xi32, #tpu.memory_space<vmem>>)
        tpu.yield
      }) : () -> ()
      "tpu.region"() ({
        %run_scoped3A = tpu.sem_alloc : memref<!tpu.dma_semaphore, #tpu.memory_space<semaphore_mem>>
        %dma_start3A_110 = tpu.memref_slice %arg3[%add3A_11] : memref<204800xi32, #tpu.memory_space<hbm>> -> memref<64xi32, #tpu.memory_space<hbm>>
        %dma_start3A_111 = tpu.memref_slice %arg3[%add3A_11] : memref<204800xi32, #tpu.memory_space<hbm>> -> memref<64xi32, #tpu.memory_space<hbm>>
        tpu.enqueue_dma source(%dma_start3A_111 : memref<64xi32, #tpu.memory_space<hbm>>) target(%arg10 : memref<64xi32, #tpu.memory_space<vmem>>) target_semaphore(%run_scoped3A : memref<!tpu.dma_semaphore, #tpu.memory_space<semaphore_mem>>)
        %dma_wait3A_112 = tpu.memref_slice %arg3[%add3A_11] : memref<204800xi32, #tpu.memory_space<hbm>> -> memref<64xi32, #tpu.memory_space<hbm>>
        %dma_wait3A_113 = tpu.memref_slice %arg3[%add3A_11] : memref<204800xi32, #tpu.memory_space<hbm>> -> memref<64xi32, #tpu.memory_space<hbm>>
        tpu.wait_dma2 semaphore(%run_scoped3A : memref<!tpu.dma_semaphore, #tpu.memory_space<semaphore_mem>>) src(%dma_wait3A_113 : memref<64xi32, #tpu.memory_space<hbm>>) dst(%arg10 : memref<64xi32, #tpu.memory_space<vmem>>)
        tpu.yield
      }) : () -> ()
      "tpu.region"() ({
        %run_scoped3A = tpu.sem_alloc : memref<!tpu.dma_semaphore, #tpu.memory_space<semaphore_mem>>
        %dma_start3A_110 = tpu.memref_slice %arg4[%add3A_11] : memref<204800xi32, #tpu.memory_space<hbm>> -> memref<64xi32, #tpu.memory_space<hbm>>
        %dma_start3A_111 = tpu.memref_slice %arg4[%add3A_11] : memref<204800xi32, #tpu.memory_space<hbm>> -> memref<64xi32, #tpu.memory_space<hbm>>
        tpu.enqueue_dma source(%dma_start3A_111 : memref<64xi32, #tpu.memory_space<hbm>>) target(%arg11 : memref<64xi32, #tpu.memory_space<vmem>>) target_semaphore(%run_scoped3A : memref<!tpu.dma_semaphore, #tpu.memory_space<semaphore_mem>>)
        %dma_wait3A_112 = tpu.memref_slice %arg4[%add3A_11] : memref<204800xi32, #tpu.memory_space<hbm>> -> memref<64xi32, #tpu.memory_space<hbm>>
        %dma_wait3A_113 = tpu.memref_slice %arg4[%add3A_11] : memref<204800xi32, #tpu.memory_space<hbm>> -> memref<64xi32, #tpu.memory_space<hbm>>
        tpu.wait_dma2 semaphore(%run_scoped3A : memref<!tpu.dma_semaphore, #tpu.memory_space<semaphore_mem>>) src(%dma_wait3A_113 : memref<64xi32, #tpu.memory_space<hbm>>) dst(%arg11 : memref<64xi32, #tpu.memory_space<vmem>>)
        tpu.yield
      }) : () -> ()
      "tpu.region"() ({
        %run_scoped3A = tpu.sem_alloc : memref<!tpu.dma_semaphore, #tpu.memory_space<semaphore_mem>>
        %dma_start3A_110 = tpu.memref_slice %arg5[%add3A_11] : memref<204800xi32, #tpu.memory_space<hbm>> -> memref<64xi32, #tpu.memory_space<hbm>>
        %dma_start3A_111 = tpu.memref_slice %arg5[%add3A_11] : memref<204800xi32, #tpu.memory_space<hbm>> -> memref<64xi32, #tpu.memory_space<hbm>>
        tpu.enqueue_dma source(%dma_start3A_111 : memref<64xi32, #tpu.memory_space<hbm>>) target(%arg12 : memref<64xi32, #tpu.memory_space<vmem>>) target_semaphore(%run_scoped3A : memref<!tpu.dma_semaphore, #tpu.memory_space<semaphore_mem>>)
        %dma_wait3A_112 = tpu.memref_slice %arg5[%add3A_11] : memref<204800xi32, #tpu.memory_space<hbm>> -> memref<64xi32, #tpu.memory_space<hbm>>
        %dma_wait3A_113 = tpu.memref_slice %arg5[%add3A_11] : memref<204800xi32, #tpu.memory_space<hbm>> -> memref<64xi32, #tpu.memory_space<hbm>>
        tpu.wait_dma2 semaphore(%run_scoped3A : memref<!tpu.dma_semaphore, #tpu.memory_space<semaphore_mem>>) src(%dma_wait3A_113 : memref<64xi32, #tpu.memory_space<hbm>>) dst(%arg12 : memref<64xi32, #tpu.memory_space<vmem>>)
        tpu.yield
      }) : () -> ()
      %get3A = arith.constant 0 : index
      %get3A_12 = tpu.vector_load %arg10[%get3A] {strides = array<i32>} : memref<64xi32, #tpu.memory_space<vmem>>, vector<16xi32>,
      %get3A_13 = vector.shape_cast %get3A_12 : vector<16xi32> to vector<16xi32>
      %mul3A_14 = arith.constant 1000 : i32
      %mul3A_15 = vector.broadcast %mul3A_14 : i32 to vector<16xi32>
      %mul3A_16 = arith.muli %get3A_13, %mul3A_15 : vector<16xi32>
      %get3A_17 = arith.constant 0 : index
      %get3A_18 = tpu.vector_load %arg11[%get3A_17] {strides = array<i32>} : memref<64xi32, #tpu.memory_space<vmem>>, vector<16xi32>,
      %get3A_19 = vector.shape_cast %get3A_18 : vector<16xi32> to vector<16xi32>
      %mul3A_20 = arith.constant 20 : i32
      %mul3A_21 = vector.broadcast %mul3A_20 : i32 to vector<16xi32>
      %mul3A_22 = arith.muli %get3A_19, %mul3A_21 : vector<16xi32>
      %add3A_23 = arith.addi %mul3A_16, %mul3A_22 : vector<16xi32>
      %get3A_24 = arith.constant 0 : index
      %get3A_25 = tpu.vector_load %arg12[%get3A_24] {strides = array<i32>} : memref<64xi32, #tpu.memory_space<vmem>>, vector<16xi32>,
      %get3A_26 = vector.shape_cast %get3A_25 : vector<16xi32> to vector<16xi32>
      %add3A_27 = arith.addi %add3A_23, %get3A_26 : vector<16xi32>
      %swap3A = arith.constant 0 : index
      %swap3A_28 = tpu.vector_load %arg13[%swap3A] {strides = array<i32>} : memref<64xi32, #tpu.memory_space<vmem>>, vector<16xi32>,
      %swap3A_29 = vector.shape_cast %swap3A_28 : vector<16xi32> to vector<16xi32>
      %swap3A_30 = vector.shape_cast %add3A_27 : vector<16xi32> to vector<16xi32>
      tpu.vector_store %arg13[%swap3A], %swap3A_30 {strides = array<i32>} : memref<64xi32, #tpu.memory_space<vmem>>, vector<16xi32>,
      %get3A_31 = arith.constant 16 : index
      %get3A_32 = tpu.vector_load %arg10[%get3A_31] {strides = array<i32>} : memref<64xi32, #tpu.memory_space<vmem>>, vector<16xi32>,
      %get3A_33 = vector.shape_cast %get3A_32 : vector<16xi32> to vector<16xi32>
      %mul3A_34 = arith.constant 1000 : i32
      %mul3A_35 = vector.broadcast %mul3A_34 : i32 to vector<16xi32>
      %mul3A_36 = arith.muli %get3A_33, %mul3A_35 : vector<16xi32>
      %get3A_37 = arith.constant 16 : index
      %get3A_38 = tpu.vector_load %arg11[%get3A_37] {strides = array<i32>} : memref<64xi32, #tpu.memory_space<vmem>>, vector<16xi32>,
      %get3A_39 = vector.shape_cast %get3A_38 : vector<16xi32> to vector<16xi32>
      %mul3A_40 = arith.constant 20 : i32
      %mul3A_41 = vector.broadcast %mul3A_40 : i32 to vector<16xi32>
      %mul3A_42 = arith.muli %get3A_39, %mul3A_41 : vector<16xi32>
      %add3A_43 = arith.addi %mul3A_36, %mul3A_42 : vector<16xi32>
      %get3A_44 = arith.constant 16 : index
      %get3A_45 = tpu.vector_load %arg12[%get3A_44] {strides = array<i32>} : memref<64xi32, #tpu.memory_space<vmem>>, vector<16xi32>,
      %get3A_46 = vector.shape_cast %get3A_45 : vector<16xi32> to vector<16xi32>
      %add3A_47 = arith.addi %add3A_43, %get3A_46 : vector<16xi32>
      %swap3A_48 = arith.constant 16 : index
      %swap3A_49 = tpu.vector_load %arg13[%swap3A_48] {strides = array<i32>} : memref<64xi32, #tpu.memory_space<vmem>>, vector<16xi32>,
      %swap3A_50 = vector.shape_cast %swap3A_49 : vector<16xi32> to vector<16xi32>
      %swap3A_51 = vector.shape_cast %add3A_47 : vector<16xi32> to vector<16xi32>
      tpu.vector_store %arg13[%swap3A_48], %swap3A_51 {strides = array<i32>} : memref<64xi32, #tpu.memory_space<vmem>>, vector<16xi32>,
      %get3A_52 = arith.constant 32 : index
      %get3A_53 = tpu.vector_load %arg10[%get3A_52] {strides = array<i32>} : memref<64xi32, #tpu.memory_space<vmem>>, vector<16xi32>,
      %get3A_54 = vector.shape_cast %get3A_53 : vector<16xi32> to vector<16xi32>
      %mul3A_55 = arith.constant 1000 : i32
      %mul3A_56 = vector.broadcast %mul3A_55 : i32 to vector<16xi32>
      %mul3A_57 = arith.muli %get3A_54, %mul3A_56 : vector<16xi32>
      %get3A_58 = arith.constant 32 : index
      %get3A_59 = tpu.vector_load %arg11[%get3A_58] {strides = array<i32>} : memref<64xi32, #tpu.memory_space<vmem>>, vector<16xi32>,
      %get3A_60 = vector.shape_cast %get3A_59 : vector<16xi32> to vector<16xi32>
      %mul3A_61 = arith.constant 20 : i32
      %mul3A_62 = vector.broadcast %mul3A_61 : i32 to vector<16xi32>
      %mul3A_63 = arith.muli %get3A_60, %mul3A_62 : vector<16xi32>
      %add3A_64 = arith.addi %mul3A_57, %mul3A_63 : vector<16xi32>
      %get3A_65 = arith.constant 32 : index
      %get3A_66 = tpu.vector_load %arg12[%get3A_65] {strides = array<i32>} : memref<64xi32, #tpu.memory_space<vmem>>, vector<16xi32>,
      %get3A_67 = vector.shape_cast %get3A_66 : vector<16xi32> to vector<16xi32>
      %add3A_68 = arith.addi %add3A_64, %get3A_67 : vector<16xi32>
      %swap3A_69 = arith.constant 32 : index
      %swap3A_70 = tpu.vector_load %arg13[%swap3A_69] {strides = array<i32>} : memref<64xi32, #tpu.memory_space<vmem>>, vector<16xi32>,
      %swap3A_71 = vector.shape_cast %swap3A_70 : vector<16xi32> to vector<16xi32>
      %swap3A_72 = vector.shape_cast %add3A_68 : vector<16xi32> to vector<16xi32>
      tpu.vector_store %arg13[%swap3A_69], %swap3A_72 {strides = array<i32>} : memref<64xi32, #tpu.memory_space<vmem>>, vector<16xi32>,
      %get3A_73 = arith.constant 48 : index
      %get3A_74 = tpu.vector_load %arg10[%get3A_73] {strides = array<i32>} : memref<64xi32, #tpu.memory_space<vmem>>, vector<16xi32>,
      %get3A_75 = vector.shape_cast %get3A_74 : vector<16xi32> to vector<16xi32>
      %mul3A_76 = arith.constant 1000 : i32
      %mul3A_77 = vector.broadcast %mul3A_76 : i32 to vector<16xi32>
      %mul3A_78 = arith.muli %get3A_75, %mul3A_77 : vector<16xi32>
      %get3A_79 = arith.constant 48 : index
      %get3A_80 = tpu.vector_load %arg11[%get3A_79] {strides = array<i32>} : memref<64xi32, #tpu.memory_space<vmem>>, vector<16xi32>,
      %get3A_81 = vector.shape_cast %get3A_80 : vector<16xi32> to vector<16xi32>
      %mul3A_82 = arith.constant 20 : i32
      %mul3A_83 = vector.broadcast %mul3A_82 : i32 to vector<16xi32>
      %mul3A_84 = arith.muli %get3A_81, %mul3A_83 : vector<16xi32>
      %add3A_85 = arith.addi %mul3A_78, %mul3A_84 : vector<16xi32>
      %get3A_86 = arith.constant 48 : index
      %get3A_87 = tpu.vector_load %arg12[%get3A_86] {strides = array<i32>} : memref<64xi32, #tpu.memory_space<vmem>>, vector<16xi32>,
      %get3A_88 = vector.shape_cast %get3A_87 : vector<16xi32> to vector<16xi32>
      %add3A_89 = arith.addi %add3A_85, %get3A_88 : vector<16xi32>
      %swap3A_90 = arith.constant 48 : index
      %swap3A_91 = tpu.vector_load %arg13[%swap3A_90] {strides = array<i32>} : memref<64xi32, #tpu.memory_space<vmem>>, vector<16xi32>,
      %swap3A_92 = vector.shape_cast %swap3A_91 : vector<16xi32> to vector<16xi32>
      %swap3A_93 = vector.shape_cast %add3A_89 : vector<16xi32> to vector<16xi32>
      tpu.vector_store %arg13[%swap3A_90], %swap3A_93 {strides = array<i32>} : memref<64xi32, #tpu.memory_space<vmem>>, vector<16xi32>,
      %dma_start3A = arith.constant 0 : i32
      %dma_start3A_94 = arith.constant 0 : i32
      %dma_start3A_95 = tpu.memref_slice %arg6[%dma_start3A, %dma_start3A_94] : memref<100000x512xf32, #tpu.memory_space<hbm>> -> memref<100000x512xf32, #tpu.memory_space<hbm>>
      tpu.enqueue_indirect_dma source(%dma_start3A_95 : memref<100000x512xf32, #tpu.memory_space<hbm>>) target(%arg14 : memref<64x512xf32, #tpu.memory_space<vmem>>) offsets(%arg9 : memref<64xi32, #tpu.memory_space<vmem>>) semaphore(%arg16 : memref<!tpu.dma_semaphore, #tpu.memory_space<semaphore_mem>>)
      %dma_start3A_96 = arith.constant 0 : i32
      %dma_start3A_97 = arith.constant 0 : i32
      %dma_start3A_98 = tpu.memref_slice %arg7[%dma_start3A_96, %dma_start3A_97] : memref<5000x512xf32, #tpu.memory_space<hbm>> -> memref<5000x512xf32, #tpu.memory_space<hbm>>
      tpu.enqueue_indirect_dma source(%dma_start3A_98 : memref<5000x512xf32, #tpu.memory_space<hbm>>) target(%arg15 : memref<64x512xf32, #tpu.memory_space<vmem>>) offsets(%arg13 : memref<64xi32, #tpu.memory_space<vmem>>) semaphore(%arg16 : memref<!tpu.dma_semaphore, #tpu.memory_space<semaphore_mem>>)
      %dma_wait3A = arith.constant 0 : i32
      %dma_wait3A_99 = arith.constant 0 : i32
      %dma_wait3A_100 = tpu.memref_slice %arg6[%dma_wait3A, %dma_wait3A_99] : memref<100000x512xf32, #tpu.memory_space<hbm>> -> memref<100000x512xf32, #tpu.memory_space<hbm>>
      tpu.wait_indirect_dma semaphore(%arg16 : memref<!tpu.dma_semaphore, #tpu.memory_space<semaphore_mem>>) src(%dma_wait3A_100 : memref<100000x512xf32, #tpu.memory_space<hbm>>) dst(%arg14 : memref<64x512xf32, #tpu.memory_space<vmem>>)
      %dma_wait3A_101 = arith.constant 0 : i32
      %dma_wait3A_102 = arith.constant 0 : i32
      %dma_wait3A_103 = tpu.memref_slice %arg7[%dma_wait3A_101, %dma_wait3A_102] : memref<5000x512xf32, #tpu.memory_space<hbm>> -> memref<5000x512xf32, #tpu.memory_space<hbm>>
      tpu.wait_indirect_dma semaphore(%arg16 : memref<!tpu.dma_semaphore, #tpu.memory_space<semaphore_mem>>) src(%dma_wait3A_103 : memref<5000x512xf32, #tpu.memory_space<hbm>>) dst(%arg15 : memref<64x512xf32, #tpu.memory_space<vmem>>)
      %scan3A_104 = arith.constant 0 : i32
      %scan3A_105 = arith.constant 0 : i32
      %scan3A_106 = arith.constant 64 : i32
      %scan3A_107 = arith.addi %scan3A_105, %scan3A_106 : i32
      %scan3A_108 = arith.constant 1 : i32
      scf.for %scan3A_110 = %scan3A_105 to %scan3A_107 step %scan3A_108  : i32 {
        %get3A_111 = arith.index_cast %scan3A_110 : i32 to index
        %get3A_112 = arith.constant 0 : index
        %get3A_113 = tpu.vector_load %arg14[%get3A_111, %get3A_112] {strides = array<i32>} : memref<64x512xf32, #tpu.memory_space<vmem>>, vector<1x16xf32>,
        %get3A_114 = vector.shape_cast %get3A_113 : vector<1x16xf32> to vector<16xf32>
        %get3A_115 = arith.index_cast %scan3A_110 : i32 to index
        %get3A_116 = arith.constant 0 : index
        %get3A_117 = tpu.vector_load %arg15[%get3A_115, %get3A_116] {strides = array<i32>} : memref<64x512xf32, #tpu.memory_space<vmem>>, vector<1x16xf32>,
        %get3A_118 = vector.shape_cast %get3A_117 : vector<1x16xf32> to vector<16xf32>
        %add3A_119 = arith.addf %get3A_114, %get3A_118 : vector<16xf32>
        %swap3A_120 = arith.index_cast %scan3A_110 : i32 to index
        %swap3A_121 = arith.constant 0 : index
        %swap3A_122 = tpu.vector_load %arg14[%swap3A_120, %swap3A_121] {strides = array<i32>} : memref<64x512xf32, #tpu.memory_space<vmem>>, vector<1x16xf32>,
        %swap3A_123 = vector.shape_cast %swap3A_122 : vector<1x16xf32> to vector<16xf32>
        %swap3A_124 = vector.shape_cast %add3A_119 : vector<16xf32> to vector<1x16xf32>
        tpu.vector_store %arg14[%swap3A_120, %swap3A_121], %swap3A_124 {strides = array<i32>} : memref<64x512xf32, #tpu.memory_space<vmem>>, vector<1x16xf32>,
        %get3A_125 = arith.index_cast %scan3A_110 : i32 to index
        %get3A_126 = arith.constant 16 : index
        %get3A_127 = tpu.vector_load %arg14[%get3A_125, %get3A_126] {strides = array<i32>} : memref<64x512xf32, #tpu.memory_space<vmem>>, vector<1x16xf32>,
        %get3A_128 = vector.shape_cast %get3A_127 : vector<1x16xf32> to vector<16xf32>
        %get3A_129 = arith.index_cast %scan3A_110 : i32 to index
        %get3A_130 = arith.constant 16 : index
        %get3A_131 = tpu.vector_load %arg15[%get3A_129, %get3A_130] {strides = array<i32>} : memref<64x512xf32, #tpu.memory_space<vmem>>, vector<1x16xf32>,
        %get3A_132 = vector.shape_cast %get3A_131 : vector<1x16xf32> to vector<16xf32>
        %add3A_133 = arith.addf %get3A_128, %get3A_132 : vector<16xf32>
        %swap3A_134 = arith.index_cast %scan3A_110 : i32 to index
        %swap3A_135 = arith.constant 16 : index
        %swap3A_136 = tpu.vector_load %arg14[%swap3A_134, %swap3A_135] {strides = array<i32>} : memref<64x512xf32, #tpu.memory_space<vmem>>, vector<1x16xf32>,
        %swap3A_137 = vector.shape_cast %swap3A_136 : vector<1x16xf32> to vector<16xf32>
        %swap3A_138 = vector.shape_cast %add3A_133 : vector<16xf32> to vector<1x16xf32>
        tpu.vector_store %arg14[%swap3A_134, %swap3A_135], %swap3A_138 {strides = array<i32>} : memref<64x512xf32, #tpu.memory_space<vmem>>, vector<1x16xf32>,
        %get3A_139 = arith.index_cast %scan3A_110 : i32 to index
        %get3A_140 = arith.constant 32 : index
        %get3A_141 = tpu.vector_load %arg14[%get3A_139, %get3A_140] {strides = array<i32>} : memref<64x512xf32, #tpu.memory_space<vmem>>, vector<1x16xf32>,
        %get3A_142 = vector.shape_cast %get3A_141 : vector<1x16xf32> to vector<16xf32>
        %get3A_143 = arith.index_cast %scan3A_110 : i32 to index
        %get3A_144 = arith.constant 32 : index
        %get3A_145 = tpu.vector_load %arg15[%get3A_143, %get3A_144] {strides = array<i32>} : memref<64x512xf32, #tpu.memory_space<vmem>>, vector<1x16xf32>,
        %get3A_146 = vector.shape_cast %get3A_145 : vector<1x16xf32> to vector<16xf32>
        %add3A_147 = arith.addf %get3A_142, %get3A_146 : vector<16xf32>
        %swap3A_148 = arith.index_cast %scan3A_110 : i32 to index
        %swap3A_149 = arith.constant 32 : index
        %swap3A_150 = tpu.vector_load %arg14[%swap3A_148, %swap3A_149] {strides = array<i32>} : memref<64x512xf32, #tpu.memory_space<vmem>>, vector<1x16xf32>,
        %swap3A_151 = vector.shape_cast %swap3A_150 : vector<1x16xf32> to vector<16xf32>
        %swap3A_152 = vector.shape_cast %add3A_147 : vector<16xf32> to vector<1x16xf32>
        tpu.vector_store %arg14[%swap3A_148, %swap3A_149], %swap3A_152 {strides = array<i32>} : memref<64x512xf32, #tpu.memory_space<vmem>>, vector<1x16xf32>,
        %get3A_153 = arith.index_cast %scan3A_110 : i32 to index
        %get3A_154 = arith.constant 48 : index
        %get3A_155 = tpu.vector_load %arg14[%get3A_153, %get3A_154] {strides = array<i32>} : memref<64x512xf32, #tpu.memory_space<vmem>>, vector<1x16xf32>,
        %get3A_156 = vector.shape_cast %get3A_155 : vector<1x16xf32> to vector<16xf32>
        %get3A_157 = arith.index_cast %scan3A_110 : i32 to index
        %get3A_158 = arith.constant 48 : index
        %get3A_159 = tpu.vector_load %arg15[%get3A_157, %get3A_158] {strides = array<i32>} : memref<64x512xf32, #tpu.memory_space<vmem>>, vector<1x16xf32>,
        %get3A_160 = vector.shape_cast %get3A_159 : vector<1x16xf32> to vector<16xf32>
        %add3A_161 = arith.addf %get3A_156, %get3A_160 : vector<16xf32>
        %swap3A_162 = arith.index_cast %scan3A_110 : i32 to index
        %swap3A_163 = arith.constant 48 : index
        %swap3A_164 = tpu.vector_load %arg14[%swap3A_162, %swap3A_163] {strides = array<i32>} : memref<64x512xf32, #tpu.memory_space<vmem>>, vector<1x16xf32>,
        %swap3A_165 = vector.shape_cast %swap3A_164 : vector<1x16xf32> to vector<16xf32>
        %swap3A_166 = vector.shape_cast %add3A_161 : vector<16xf32> to vector<1x16xf32>
        tpu.vector_store %arg14[%swap3A_162, %swap3A_163], %swap3A_166 {strides = array<i32>} : memref<64x512xf32, #tpu.memory_space<vmem>>, vector<1x16xf32>,
        %get3A_167 = arith.index_cast %scan3A_110 : i32 to index
        %get3A_168 = arith.constant 64 : index
        %get3A_169 = tpu.vector_load %arg14[%get3A_167, %get3A_168] {strides = array<i32>} : memref<64x512xf32, #tpu.memory_space<vmem>>, vector<1x16xf32>,
        %get3A_170 = vector.shape_cast %get3A_169 : vector<1x16xf32> to vector<16xf32>
        %get3A_171 = arith.index_cast %scan3A_110 : i32 to index
        %get3A_172 = arith.constant 64 : index
        %get3A_173 = tpu.vector_load %arg15[%get3A_171, %get3A_172] {strides = array<i32>} : memref<64x512xf32, #tpu.memory_space<vmem>>, vector<1x16xf32>,
        %get3A_174 = vector.shape_cast %get3A_173 : vector<1x16xf32> to vector<16xf32>
        %add3A_175 = arith.addf %get3A_170, %get3A_174 : vector<16xf32>
        %swap3A_176 = arith.index_cast %scan3A_110 : i32 to index
        %swap3A_177 = arith.constant 64 : index
        %swap3A_178 = tpu.vector_load %arg14[%swap3A_176, %swap3A_177] {strides = array<i32>} : memref<64x512xf32, #tpu.memory_space<vmem>>, vector<1x16xf32>,
        %swap3A_179 = vector.shape_cast %swap3A_178 : vector<1x16xf32> to vector<16xf32>
        %swap3A_180 = vector.shape_cast %add3A_175 : vector<16xf32> to vector<1x16xf32>
        tpu.vector_store %arg14[%swap3A_176, %swap3A_177], %swap3A_180 {strides = array<i32>} : memref<64x512xf32, #tpu.memory_space<vmem>>, vector<1x16xf32>,
        %get3A_181 = arith.index_cast %scan3A_110 : i32 to index
        %get3A_182 = arith.constant 80 : index
        %get3A_183 = tpu.vector_load %arg14[%get3A_181, %get3A_182] {strides = array<i32>} : memref<64x512xf32, #tpu.memory_space<vmem>>, vector<1x16xf32>,
        %get3A_184 = vector.shape_cast %get3A_183 : vector<1x16xf32> to vector<16xf32>
        %get3A_185 = arith.index_cast %scan3A_110 : i32 to index
        %get3A_186 = arith.constant 80 : index
        %get3A_187 = tpu.vector_load %arg15[%get3A_185, %get3A_186] {strides = array<i32>} : memref<64x512xf32, #tpu.memory_space<vmem>>, vector<1x16xf32>,
        %get3A_188 = vector.shape_cast %get3A_187 : vector<1x16xf32> to vector<16xf32>
        %add3A_189 = arith.addf %get3A_184, %get3A_188 : vector<16xf32>
        %swap3A_190 = arith.index_cast %scan3A_110 : i32 to index
        %swap3A_191 = arith.constant 80 : index
        %swap3A_192 = tpu.vector_load %arg14[%swap3A_190, %swap3A_191] {strides = array<i32>} : memref<64x512xf32, #tpu.memory_space<vmem>>, vector<1x16xf32>,
        %swap3A_193 = vector.shape_cast %swap3A_192 : vector<1x16xf32> to vector<16xf32>
        %swap3A_194 = vector.shape_cast %add3A_189 : vector<16xf32> to vector<1x16xf32>
        tpu.vector_store %arg14[%swap3A_190, %swap3A_191], %swap3A_194 {strides = array<i32>} : memref<64x512xf32, #tpu.memory_space<vmem>>, vector<1x16xf32>,
        %get3A_195 = arith.index_cast %scan3A_110 : i32 to index
        %get3A_196 = arith.constant 96 : index
        %get3A_197 = tpu.vector_load %arg14[%get3A_195, %get3A_196] {strides = array<i32>} : memref<64x512xf32, #tpu.memory_space<vmem>>, vector<1x16xf32>,
        %get3A_198 = vector.shape_cast %get3A_197 : vector<1x16xf32> to vector<16xf32>
        %get3A_199 = arith.index_cast %scan3A_110 : i32 to index
        %get3A_200 = arith.constant 96 : index
        %get3A_201 = tpu.vector_load %arg15[%get3A_199, %get3A_200] {strides = array<i32>} : memref<64x512xf32, #tpu.memory_space<vmem>>, vector<1x16xf32>,
        %get3A_202 = vector.shape_cast %get3A_201 : vector<1x16xf32> to vector<16xf32>
        %add3A_203 = arith.addf %get3A_198, %get3A_202 : vector<16xf32>
        %swap3A_204 = arith.index_cast %scan3A_110 : i32 to index
        %swap3A_205 = arith.constant 96 : index
        %swap3A_206 = tpu.vector_load %arg14[%swap3A_204, %swap3A_205] {strides = array<i32>} : memref<64x512xf32, #tpu.memory_space<vmem>>, vector<1x16xf32>,
        %swap3A_207 = vector.shape_cast %swap3A_206 : vector<1x16xf32> to vector<16xf32>
        %swap3A_208 = vector.shape_cast %add3A_203 : vector<16xf32> to vector<1x16xf32>
        tpu.vector_store %arg14[%swap3A_204, %swap3A_205], %swap3A_208 {strides = array<i32>} : memref<64x512xf32, #tpu.memory_space<vmem>>, vector<1x16xf32>,
        %get3A_209 = arith.index_cast %scan3A_110 : i32 to index
        %get3A_210 = arith.constant 112 : index
        %get3A_211 = tpu.vector_load %arg14[%get3A_209, %get3A_210] {strides = array<i32>} : memref<64x512xf32, #tpu.memory_space<vmem>>, vector<1x16xf32>,
        %get3A_212 = vector.shape_cast %get3A_211 : vector<1x16xf32> to vector<16xf32>
        %get3A_213 = arith.index_cast %scan3A_110 : i32 to index
        %get3A_214 = arith.constant 112 : index
        %get3A_215 = tpu.vector_load %arg15[%get3A_213, %get3A_214] {strides = array<i32>} : memref<64x512xf32, #tpu.memory_space<vmem>>, vector<1x16xf32>,
        %get3A_216 = vector.shape_cast %get3A_215 : vector<1x16xf32> to vector<16xf32>
        %add3A_217 = arith.addf %get3A_212, %get3A_216 : vector<16xf32>
        %swap3A_218 = arith.index_cast %scan3A_110 : i32 to index
        %swap3A_219 = arith.constant 112 : index
        %swap3A_220 = tpu.vector_load %arg14[%swap3A_218, %swap3A_219] {strides = array<i32>} : memref<64x512xf32, #tpu.memory_space<vmem>>, vector<1x16xf32>,
        %swap3A_221 = vector.shape_cast %swap3A_220 : vector<1x16xf32> to vector<16xf32>
        %swap3A_222 = vector.shape_cast %add3A_217 : vector<16xf32> to vector<1x16xf32>
        tpu.vector_store %arg14[%swap3A_218, %swap3A_219], %swap3A_222 {strides = array<i32>} : memref<64x512xf32, #tpu.memory_space<vmem>>, vector<1x16xf32>,
        %get3A_223 = arith.index_cast %scan3A_110 : i32 to index
        %get3A_224 = arith.constant 128 : index
        %get3A_225 = tpu.vector_load %arg14[%get3A_223, %get3A_224] {strides = array<i32>} : memref<64x512xf32, #tpu.memory_space<vmem>>, vector<1x16xf32>,
        %get3A_226 = vector.shape_cast %get3A_225 : vector<1x16xf32> to vector<16xf32>
        %get3A_227 = arith.index_cast %scan3A_110 : i32 to index
        %get3A_228 = arith.constant 128 : index
        %get3A_229 = tpu.vector_load %arg15[%get3A_227, %get3A_228] {strides = array<i32>} : memref<64x512xf32, #tpu.memory_space<vmem>>, vector<1x16xf32>,
        %get3A_230 = vector.shape_cast %get3A_229 : vector<1x16xf32> to vector<16xf32>
        %add3A_231 = arith.addf %get3A_226, %get3A_230 : vector<16xf32>
        %swap3A_232 = arith.index_cast %scan3A_110 : i32 to index
        %swap3A_233 = arith.constant 128 : index
        %swap3A_234 = tpu.vector_load %arg14[%swap3A_232, %swap3A_233] {strides = array<i32>} : memref<64x512xf32, #tpu.memory_space<vmem>>, vector<1x16xf32>,
        %swap3A_235 = vector.shape_cast %swap3A_234 : vector<1x16xf32> to vector<16xf32>
        %swap3A_236 = vector.shape_cast %add3A_231 : vector<16xf32> to vector<1x16xf32>
        tpu.vector_store %arg14[%swap3A_232, %swap3A_233], %swap3A_236 {strides = array<i32>} : memref<64x512xf32, #tpu.memory_space<vmem>>, vector<1x16xf32>,
        %get3A_237 = arith.index_cast %scan3A_110 : i32 to index
        %get3A_238 = arith.constant 144 : index
        %get3A_239 = tpu.vector_load %arg14[%get3A_237, %get3A_238] {strides = array<i32>} : memref<64x512xf32, #tpu.memory_space<vmem>>, vector<1x16xf32>,
        %get3A_240 = vector.shape_cast %get3A_239 : vector<1x16xf32> to vector<16xf32>
        %get3A_241 = arith.index_cast %scan3A_110 : i32 to index
        %get3A_242 = arith.constant 144 : index
        %get3A_243 = tpu.vector_load %arg15[%get3A_241, %get3A_242] {strides = array<i32>} : memref<64x512xf32, #tpu.memory_space<vmem>>, vector<1x16xf32>,
        %get3A_244 = vector.shape_cast %get3A_243 : vector<1x16xf32> to vector<16xf32>
        %add3A_245 = arith.addf %get3A_240, %get3A_244 : vector<16xf32>
        %swap3A_246 = arith.index_cast %scan3A_110 : i32 to index
        %swap3A_247 = arith.constant 144 : index
        %swap3A_248 = tpu.vector_load %arg14[%swap3A_246, %swap3A_247] {strides = array<i32>} : memref<64x512xf32, #tpu.memory_space<vmem>>, vector<1x16xf32>,
        %swap3A_249 = vector.shape_cast %swap3A_248 : vector<1x16xf32> to vector<16xf32>
        %swap3A_250 = vector.shape_cast %add3A_245 : vector<16xf32> to vector<1x16xf32>
        tpu.vector_store %arg14[%swap3A_246, %swap3A_247], %swap3A_250 {strides = array<i32>} : memref<64x512xf32, #tpu.memory_space<vmem>>, vector<1x16xf32>,
        %get3A_251 = arith.index_cast %scan3A_110 : i32 to index
        %get3A_252 = arith.constant 160 : index
        %get3A_253 = tpu.vector_load %arg14[%get3A_251, %get3A_252] {strides = array<i32>} : memref<64x512xf32, #tpu.memory_space<vmem>>, vector<1x16xf32>,
        %get3A_254 = vector.shape_cast %get3A_253 : vector<1x16xf32> to vector<16xf32>
        %get3A_255 = arith.index_cast %scan3A_110 : i32 to index
        %get3A_256 = arith.constant 160 : index
        %get3A_257 = tpu.vector_load %arg15[%get3A_255, %get3A_256] {strides = array<i32>} : memref<64x512xf32, #tpu.memory_space<vmem>>, vector<1x16xf32>,
        %get3A_258 = vector.shape_cast %get3A_257 : vector<1x16xf32> to vector<16xf32>
        %add3A_259 = arith.addf %get3A_254, %get3A_258 : vector<16xf32>
        %swap3A_260 = arith.index_cast %scan3A_110 : i32 to index
        %swap3A_261 = arith.constant 160 : index
        %swap3A_262 = tpu.vector_load %arg14[%swap3A_260, %swap3A_261] {strides = array<i32>} : memref<64x512xf32, #tpu.memory_space<vmem>>, vector<1x16xf32>,
        %swap3A_263 = vector.shape_cast %swap3A_262 : vector<1x16xf32> to vector<16xf32>
        %swap3A_264 = vector.shape_cast %add3A_259 : vector<16xf32> to vector<1x16xf32>
        tpu.vector_store %arg14[%swap3A_260, %swap3A_261], %swap3A_264 {strides = array<i32>} : memref<64x512xf32, #tpu.memory_space<vmem>>, vector<1x16xf32>,
        %get3A_265 = arith.index_cast %scan3A_110 : i32 to index
        %get3A_266 = arith.constant 176 : index
        %get3A_267 = tpu.vector_load %arg14[%get3A_265, %get3A_266] {strides = array<i32>} : memref<64x512xf32, #tpu.memory_space<vmem>>, vector<1x16xf32>,
        %get3A_268 = vector.shape_cast %get3A_267 : vector<1x16xf32> to vector<16xf32>
        %get3A_269 = arith.index_cast %scan3A_110 : i32 to index
        %get3A_270 = arith.constant 176 : index
        %get3A_271 = tpu.vector_load %arg15[%get3A_269, %get3A_270] {strides = array<i32>} : memref<64x512xf32, #tpu.memory_space<vmem>>, vector<1x16xf32>,
        %get3A_272 = vector.shape_cast %get3A_271 : vector<1x16xf32> to vector<16xf32>
        %add3A_273 = arith.addf %get3A_268, %get3A_272 : vector<16xf32>
        %swap3A_274 = arith.index_cast %scan3A_110 : i32 to index
        %swap3A_275 = arith.constant 176 : index
        %swap3A_276 = tpu.vector_load %arg14[%swap3A_274, %swap3A_275] {strides = array<i32>} : memref<64x512xf32, #tpu.memory_space<vmem>>, vector<1x16xf32>,
        %swap3A_277 = vector.shape_cast %swap3A_276 : vector<1x16xf32> to vector<16xf32>
        %swap3A_278 = vector.shape_cast %add3A_273 : vector<16xf32> to vector<1x16xf32>
        tpu.vector_store %arg14[%swap3A_274, %swap3A_275], %swap3A_278 {strides = array<i32>} : memref<64x512xf32, #tpu.memory_space<vmem>>, vector<1x16xf32>,
        %get3A_279 = arith.index_cast %scan3A_110 : i32 to index
        %get3A_280 = arith.constant 192 : index
        %get3A_281 = tpu.vector_load %arg14[%get3A_279, %get3A_280] {strides = array<i32>} : memref<64x512xf32, #tpu.memory_space<vmem>>, vector<1x16xf32>,
        %get3A_282 = vector.shape_cast %get3A_281 : vector<1x16xf32> to vector<16xf32>
        %get3A_283 = arith.index_cast %scan3A_110 : i32 to index
        %get3A_284 = arith.constant 192 : index
        %get3A_285 = tpu.vector_load %arg15[%get3A_283, %get3A_284] {strides = array<i32>} : memref<64x512xf32, #tpu.memory_space<vmem>>, vector<1x16xf32>,
        %get3A_286 = vector.shape_cast %get3A_285 : vector<1x16xf32> to vector<16xf32>
        %add3A_287 = arith.addf %get3A_282, %get3A_286 : vector<16xf32>
        %swap3A_288 = arith.index_cast %scan3A_110 : i32 to index
        %swap3A_289 = arith.constant 192 : index
        %swap3A_290 = tpu.vector_load %arg14[%swap3A_288, %swap3A_289] {strides = array<i32>} : memref<64x512xf32, #tpu.memory_space<vmem>>, vector<1x16xf32>,
        %swap3A_291 = vector.shape_cast %swap3A_290 : vector<1x16xf32> to vector<16xf32>
        %swap3A_292 = vector.shape_cast %add3A_287 : vector<16xf32> to vector<1x16xf32>
        tpu.vector_store %arg14[%swap3A_288, %swap3A_289], %swap3A_292 {strides = array<i32>} : memref<64x512xf32, #tpu.memory_space<vmem>>, vector<1x16xf32>,
        %get3A_293 = arith.index_cast %scan3A_110 : i32 to index
        %get3A_294 = arith.constant 208 : index
        %get3A_295 = tpu.vector_load %arg14[%get3A_293, %get3A_294] {strides = array<i32>} : memref<64x512xf32, #tpu.memory_space<vmem>>, vector<1x16xf32>,
        %get3A_296 = vector.shape_cast %get3A_295 : vector<1x16xf32> to vector<16xf32>
        %get3A_297 = arith.index_cast %scan3A_110 : i32 to index
        %get3A_298 = arith.constant 208 : index
        %get3A_299 = tpu.vector_load %arg15[%get3A_297, %get3A_298] {strides = array<i32>} : memref<64x512xf32, #tpu.memory_space<vmem>>, vector<1x16xf32>,
        %get3A_300 = vector.shape_cast %get3A_299 : vector<1x16xf32> to vector<16xf32>
        %add3A_301 = arith.addf %get3A_296, %get3A_300 : vector<16xf32>
        %swap3A_302 = arith.index_cast %scan3A_110 : i32 to index
        %swap3A_303 = arith.constant 208 : index
        %swap3A_304 = tpu.vector_load %arg14[%swap3A_302, %swap3A_303] {strides = array<i32>} : memref<64x512xf32, #tpu.memory_space<vmem>>, vector<1x16xf32>,
        %swap3A_305 = vector.shape_cast %swap3A_304 : vector<1x16xf32> to vector<16xf32>
        %swap3A_306 = vector.shape_cast %add3A_301 : vector<16xf32> to vector<1x16xf32>
        tpu.vector_store %arg14[%swap3A_302, %swap3A_303], %swap3A_306 {strides = array<i32>} : memref<64x512xf32, #tpu.memory_space<vmem>>, vector<1x16xf32>,
        %get3A_307 = arith.index_cast %scan3A_110 : i32 to index
        %get3A_308 = arith.constant 224 : index
        %get3A_309 = tpu.vector_load %arg14[%get3A_307, %get3A_308] {strides = array<i32>} : memref<64x512xf32, #tpu.memory_space<vmem>>, vector<1x16xf32>,
        %get3A_310 = vector.shape_cast %get3A_309 : vector<1x16xf32> to vector<16xf32>
        %get3A_311 = arith.index_cast %scan3A_110 : i32 to index
        %get3A_312 = arith.constant 224 : index
        %get3A_313 = tpu.vector_load %arg15[%get3A_311, %get3A_312] {strides = array<i32>} : memref<64x512xf32, #tpu.memory_space<vmem>>, vector<1x16xf32>,
        %get3A_314 = vector.shape_cast %get3A_313 : vector<1x16xf32> to vector<16xf32>
        %add3A_315 = arith.addf %get3A_310, %get3A_314 : vector<16xf32>
        %swap3A_316 = arith.index_cast %scan3A_110 : i32 to index
        %swap3A_317 = arith.constant 224 : index
        %swap3A_318 = tpu.vector_load %arg14[%swap3A_316, %swap3A_317] {strides = array<i32>} : memref<64x512xf32, #tpu.memory_space<vmem>>, vector<1x16xf32>,
        %swap3A_319 = vector.shape_cast %swap3A_318 : vector<1x16xf32> to vector<16xf32>
        %swap3A_320 = vector.shape_cast %add3A_315 : vector<16xf32> to vector<1x16xf32>
        tpu.vector_store %arg14[%swap3A_316, %swap3A_317], %swap3A_320 {strides = array<i32>} : memref<64x512xf32, #tpu.memory_space<vmem>>, vector<1x16xf32>,
        %get3A_321 = arith.index_cast %scan3A_110 : i32 to index
        %get3A_322 = arith.constant 240 : index
        %get3A_323 = tpu.vector_load %arg14[%get3A_321, %get3A_322] {strides = array<i32>} : memref<64x512xf32, #tpu.memory_space<vmem>>, vector<1x16xf32>,
        %get3A_324 = vector.shape_cast %get3A_323 : vector<1x16xf32> to vector<16xf32>
        %get3A_325 = arith.index_cast %scan3A_110 : i32 to index
        %get3A_326 = arith.constant 240 : index
        %get3A_327 = tpu.vector_load %arg15[%get3A_325, %get3A_326] {strides = array<i32>} : memref<64x512xf32, #tpu.memory_space<vmem>>, vector<1x16xf32>,
        %get3A_328 = vector.shape_cast %get3A_327 : vector<1x16xf32> to vector<16xf32>
        %add3A_329 = arith.addf %get3A_324, %get3A_328 : vector<16xf32>
        %swap3A_330 = arith.index_cast %scan3A_110 : i32 to index
        %swap3A_331 = arith.constant 240 : index
        %swap3A_332 = tpu.vector_load %arg14[%swap3A_330, %swap3A_331] {strides = array<i32>} : memref<64x512xf32, #tpu.memory_space<vmem>>, vector<1x16xf32>,
        %swap3A_333 = vector.shape_cast %swap3A_332 : vector<1x16xf32> to vector<16xf32>
        %swap3A_334 = vector.shape_cast %add3A_329 : vector<16xf32> to vector<1x16xf32>
        tpu.vector_store %arg14[%swap3A_330, %swap3A_331], %swap3A_334 {strides = array<i32>} : memref<64x512xf32, #tpu.memory_space<vmem>>, vector<1x16xf32>,
        %get3A_335 = arith.index_cast %scan3A_110 : i32 to index
        %get3A_336 = arith.constant 256 : index
        %get3A_337 = tpu.vector_load %arg14[%get3A_335, %get3A_336] {strides = array<i32>} : memref<64x512xf32, #tpu.memory_space<vmem>>, vector<1x16xf32>,
        %get3A_338 = vector.shape_cast %get3A_337 : vector<1x16xf32> to vector<16xf32>
        %get3A_339 = arith.index_cast %scan3A_110 : i32 to index
        %get3A_340 = arith.constant 256 : index
        %get3A_341 = tpu.vector_load %arg15[%get3A_339, %get3A_340] {strides = array<i32>} : memref<64x512xf32, #tpu.memory_space<vmem>>, vector<1x16xf32>,
        %get3A_342 = vector.shape_cast %get3A_341 : vector<1x16xf32> to vector<16xf32>
        %add3A_343 = arith.addf %get3A_338, %get3A_342 : vector<16xf32>
        %swap3A_344 = arith.index_cast %scan3A_110 : i32 to index
        %swap3A_345 = arith.constant 256 : index
        %swap3A_346 = tpu.vector_load %arg14[%swap3A_344, %swap3A_345] {strides = array<i32>} : memref<64x512xf32, #tpu.memory_space<vmem>>, vector<1x16xf32>,
        %swap3A_347 = vector.shape_cast %swap3A_346 : vector<1x16xf32> to vector<16xf32>
        %swap3A_348 = vector.shape_cast %add3A_343 : vector<16xf32> to vector<1x16xf32>
        tpu.vector_store %arg14[%swap3A_344, %swap3A_345], %swap3A_348 {strides = array<i32>} : memref<64x512xf32, #tpu.memory_space<vmem>>, vector<1x16xf32>,
        %get3A_349 = arith.index_cast %scan3A_110 : i32 to index
        %get3A_350 = arith.constant 272 : index
        %get3A_351 = tpu.vector_load %arg14[%get3A_349, %get3A_350] {strides = array<i32>} : memref<64x512xf32, #tpu.memory_space<vmem>>, vector<1x16xf32>,
        %get3A_352 = vector.shape_cast %get3A_351 : vector<1x16xf32> to vector<16xf32>
        %get3A_353 = arith.index_cast %scan3A_110 : i32 to index
        %get3A_354 = arith.constant 272 : index
        %get3A_355 = tpu.vector_load %arg15[%get3A_353, %get3A_354] {strides = array<i32>} : memref<64x512xf32, #tpu.memory_space<vmem>>, vector<1x16xf32>,
        %get3A_356 = vector.shape_cast %get3A_355 : vector<1x16xf32> to vector<16xf32>
        %add3A_357 = arith.addf %get3A_352, %get3A_356 : vector<16xf32>
        %swap3A_358 = arith.index_cast %scan3A_110 : i32 to index
        %swap3A_359 = arith.constant 272 : index
        %swap3A_360 = tpu.vector_load %arg14[%swap3A_358, %swap3A_359] {strides = array<i32>} : memref<64x512xf32, #tpu.memory_space<vmem>>, vector<1x16xf32>,
        %swap3A_361 = vector.shape_cast %swap3A_360 : vector<1x16xf32> to vector<16xf32>
        %swap3A_362 = vector.shape_cast %add3A_357 : vector<16xf32> to vector<1x16xf32>
        tpu.vector_store %arg14[%swap3A_358, %swap3A_359], %swap3A_362 {strides = array<i32>} : memref<64x512xf32, #tpu.memory_space<vmem>>, vector<1x16xf32>,
        %get3A_363 = arith.index_cast %scan3A_110 : i32 to index
        %get3A_364 = arith.constant 288 : index
        %get3A_365 = tpu.vector_load %arg14[%get3A_363, %get3A_364] {strides = array<i32>} : memref<64x512xf32, #tpu.memory_space<vmem>>, vector<1x16xf32>,
        %get3A_366 = vector.shape_cast %get3A_365 : vector<1x16xf32> to vector<16xf32>
        %get3A_367 = arith.index_cast %scan3A_110 : i32 to index
        %get3A_368 = arith.constant 288 : index
        %get3A_369 = tpu.vector_load %arg15[%get3A_367, %get3A_368] {strides = array<i32>} : memref<64x512xf32, #tpu.memory_space<vmem>>, vector<1x16xf32>,
        %get3A_370 = vector.shape_cast %get3A_369 : vector<1x16xf32> to vector<16xf32>
        %add3A_371 = arith.addf %get3A_366, %get3A_370 : vector<16xf32>
        %swap3A_372 = arith.index_cast %scan3A_110 : i32 to index
        %swap3A_373 = arith.constant 288 : index
        %swap3A_374 = tpu.vector_load %arg14[%swap3A_372, %swap3A_373] {strides = array<i32>} : memref<64x512xf32, #tpu.memory_space<vmem>>, vector<1x16xf32>,
        %swap3A_375 = vector.shape_cast %swap3A_374 : vector<1x16xf32> to vector<16xf32>
        %swap3A_376 = vector.shape_cast %add3A_371 : vector<16xf32> to vector<1x16xf32>
        tpu.vector_store %arg14[%swap3A_372, %swap3A_373], %swap3A_376 {strides = array<i32>} : memref<64x512xf32, #tpu.memory_space<vmem>>, vector<1x16xf32>,
        %get3A_377 = arith.index_cast %scan3A_110 : i32 to index
        %get3A_378 = arith.constant 304 : index
        %get3A_379 = tpu.vector_load %arg14[%get3A_377, %get3A_378] {strides = array<i32>} : memref<64x512xf32, #tpu.memory_space<vmem>>, vector<1x16xf32>,
        %get3A_380 = vector.shape_cast %get3A_379 : vector<1x16xf32> to vector<16xf32>
        %get3A_381 = arith.index_cast %scan3A_110 : i32 to index
        %get3A_382 = arith.constant 304 : index
        %get3A_383 = tpu.vector_load %arg15[%get3A_381, %get3A_382] {strides = array<i32>} : memref<64x512xf32, #tpu.memory_space<vmem>>, vector<1x16xf32>,
        %get3A_384 = vector.shape_cast %get3A_383 : vector<1x16xf32> to vector<16xf32>
        %add3A_385 = arith.addf %get3A_380, %get3A_384 : vector<16xf32>
        %swap3A_386 = arith.index_cast %scan3A_110 : i32 to index
        %swap3A_387 = arith.constant 304 : index
        %swap3A_388 = tpu.vector_load %arg14[%swap3A_386, %swap3A_387] {strides = array<i32>} : memref<64x512xf32, #tpu.memory_space<vmem>>, vector<1x16xf32>,
        %swap3A_389 = vector.shape_cast %swap3A_388 : vector<1x16xf32> to vector<16xf32>
        %swap3A_390 = vector.shape_cast %add3A_385 : vector<16xf32> to vector<1x16xf32>
        tpu.vector_store %arg14[%swap3A_386, %swap3A_387], %swap3A_390 {strides = array<i32>} : memref<64x512xf32, #tpu.memory_space<vmem>>, vector<1x16xf32>,
        %get3A_391 = arith.index_cast %scan3A_110 : i32 to index
        %get3A_392 = arith.constant 320 : index
        %get3A_393 = tpu.vector_load %arg14[%get3A_391, %get3A_392] {strides = array<i32>} : memref<64x512xf32, #tpu.memory_space<vmem>>, vector<1x16xf32>,
        %get3A_394 = vector.shape_cast %get3A_393 : vector<1x16xf32> to vector<16xf32>
        %get3A_395 = arith.index_cast %scan3A_110 : i32 to index
        %get3A_396 = arith.constant 320 : index
        %get3A_397 = tpu.vector_load %arg15[%get3A_395, %get3A_396] {strides = array<i32>} : memref<64x512xf32, #tpu.memory_space<vmem>>, vector<1x16xf32>,
        %get3A_398 = vector.shape_cast %get3A_397 : vector<1x16xf32> to vector<16xf32>
        %add3A_399 = arith.addf %get3A_394, %get3A_398 : vector<16xf32>
        %swap3A_400 = arith.index_cast %scan3A_110 : i32 to index
        %swap3A_401 = arith.constant 320 : index
        %swap3A_402 = tpu.vector_load %arg14[%swap3A_400, %swap3A_401] {strides = array<i32>} : memref<64x512xf32, #tpu.memory_space<vmem>>, vector<1x16xf32>,
        %swap3A_403 = vector.shape_cast %swap3A_402 : vector<1x16xf32> to vector<16xf32>
        %swap3A_404 = vector.shape_cast %add3A_399 : vector<16xf32> to vector<1x16xf32>
        tpu.vector_store %arg14[%swap3A_400, %swap3A_401], %swap3A_404 {strides = array<i32>} : memref<64x512xf32, #tpu.memory_space<vmem>>, vector<1x16xf32>,
        %get3A_405 = arith.index_cast %scan3A_110 : i32 to index
        %get3A_406 = arith.constant 336 : index
        %get3A_407 = tpu.vector_load %arg14[%get3A_405, %get3A_406] {strides = array<i32>} : memref<64x512xf32, #tpu.memory_space<vmem>>, vector<1x16xf32>,
        %get3A_408 = vector.shape_cast %get3A_407 : vector<1x16xf32> to vector<16xf32>
        %get3A_409 = arith.index_cast %scan3A_110 : i32 to index
        %get3A_410 = arith.constant 336 : index
        %get3A_411 = tpu.vector_load %arg15[%get3A_409, %get3A_410] {strides = array<i32>} : memref<64x512xf32, #tpu.memory_space<vmem>>, vector<1x16xf32>,
        %get3A_412 = vector.shape_cast %get3A_411 : vector<1x16xf32> to vector<16xf32>
        %add3A_413 = arith.addf %get3A_408, %get3A_412 : vector<16xf32>
        %swap3A_414 = arith.index_cast %scan3A_110 : i32 to index
        %swap3A_415 = arith.constant 336 : index
        %swap3A_416 = tpu.vector_load %arg14[%swap3A_414, %swap3A_415] {strides = array<i32>} : memref<64x512xf32, #tpu.memory_space<vmem>>, vector<1x16xf32>,
        %swap3A_417 = vector.shape_cast %swap3A_416 : vector<1x16xf32> to vector<16xf32>
        %swap3A_418 = vector.shape_cast %add3A_413 : vector<16xf32> to vector<1x16xf32>
        tpu.vector_store %arg14[%swap3A_414, %swap3A_415], %swap3A_418 {strides = array<i32>} : memref<64x512xf32, #tpu.memory_space<vmem>>, vector<1x16xf32>,
        %get3A_419 = arith.index_cast %scan3A_110 : i32 to index
        %get3A_420 = arith.constant 352 : index
        %get3A_421 = tpu.vector_load %arg14[%get3A_419, %get3A_420] {strides = array<i32>} : memref<64x512xf32, #tpu.memory_space<vmem>>, vector<1x16xf32>,
        %get3A_422 = vector.shape_cast %get3A_421 : vector<1x16xf32> to vector<16xf32>
        %get3A_423 = arith.index_cast %scan3A_110 : i32 to index
        %get3A_424 = arith.constant 352 : index
        %get3A_425 = tpu.vector_load %arg15[%get3A_423, %get3A_424] {strides = array<i32>} : memref<64x512xf32, #tpu.memory_space<vmem>>, vector<1x16xf32>,
        %get3A_426 = vector.shape_cast %get3A_425 : vector<1x16xf32> to vector<16xf32>
        %add3A_427 = arith.addf %get3A_422, %get3A_426 : vector<16xf32>
        %swap3A_428 = arith.index_cast %scan3A_110 : i32 to index
        %swap3A_429 = arith.constant 352 : index
        %swap3A_430 = tpu.vector_load %arg14[%swap3A_428, %swap3A_429] {strides = array<i32>} : memref<64x512xf32, #tpu.memory_space<vmem>>, vector<1x16xf32>,
        %swap3A_431 = vector.shape_cast %swap3A_430 : vector<1x16xf32> to vector<16xf32>
        %swap3A_432 = vector.shape_cast %add3A_427 : vector<16xf32> to vector<1x16xf32>
        tpu.vector_store %arg14[%swap3A_428, %swap3A_429], %swap3A_432 {strides = array<i32>} : memref<64x512xf32, #tpu.memory_space<vmem>>, vector<1x16xf32>,
        %get3A_433 = arith.index_cast %scan3A_110 : i32 to index
        %get3A_434 = arith.constant 368 : index
        %get3A_435 = tpu.vector_load %arg14[%get3A_433, %get3A_434] {strides = array<i32>} : memref<64x512xf32, #tpu.memory_space<vmem>>, vector<1x16xf32>,
        %get3A_436 = vector.shape_cast %get3A_435 : vector<1x16xf32> to vector<16xf32>
        %get3A_437 = arith.index_cast %scan3A_110 : i32 to index
        %get3A_438 = arith.constant 368 : index
        %get3A_439 = tpu.vector_load %arg15[%get3A_437, %get3A_438] {strides = array<i32>} : memref<64x512xf32, #tpu.memory_space<vmem>>, vector<1x16xf32>,
        %get3A_440 = vector.shape_cast %get3A_439 : vector<1x16xf32> to vector<16xf32>
        %add3A_441 = arith.addf %get3A_436, %get3A_440 : vector<16xf32>
        %swap3A_442 = arith.index_cast %scan3A_110 : i32 to index
        %swap3A_443 = arith.constant 368 : index
        %swap3A_444 = tpu.vector_load %arg14[%swap3A_442, %swap3A_443] {strides = array<i32>} : memref<64x512xf32, #tpu.memory_space<vmem>>, vector<1x16xf32>,
        %swap3A_445 = vector.shape_cast %swap3A_444 : vector<1x16xf32> to vector<16xf32>
        %swap3A_446 = vector.shape_cast %add3A_441 : vector<16xf32> to vector<1x16xf32>
        tpu.vector_store %arg14[%swap3A_442, %swap3A_443], %swap3A_446 {strides = array<i32>} : memref<64x512xf32, #tpu.memory_space<vmem>>, vector<1x16xf32>,
        %get3A_447 = arith.index_cast %scan3A_110 : i32 to index
        %get3A_448 = arith.constant 384 : index
        %get3A_449 = tpu.vector_load %arg14[%get3A_447, %get3A_448] {strides = array<i32>} : memref<64x512xf32, #tpu.memory_space<vmem>>, vector<1x16xf32>,
        %get3A_450 = vector.shape_cast %get3A_449 : vector<1x16xf32> to vector<16xf32>
        %get3A_451 = arith.index_cast %scan3A_110 : i32 to index
        %get3A_452 = arith.constant 384 : index
        %get3A_453 = tpu.vector_load %arg15[%get3A_451, %get3A_452] {strides = array<i32>} : memref<64x512xf32, #tpu.memory_space<vmem>>, vector<1x16xf32>,
        %get3A_454 = vector.shape_cast %get3A_453 : vector<1x16xf32> to vector<16xf32>
        %add3A_455 = arith.addf %get3A_450, %get3A_454 : vector<16xf32>
        %swap3A_456 = arith.index_cast %scan3A_110 : i32 to index
        %swap3A_457 = arith.constant 384 : index
        %swap3A_458 = tpu.vector_load %arg14[%swap3A_456, %swap3A_457] {strides = array<i32>} : memref<64x512xf32, #tpu.memory_space<vmem>>, vector<1x16xf32>,
        %swap3A_459 = vector.shape_cast %swap3A_458 : vector<1x16xf32> to vector<16xf32>
        %swap3A_460 = vector.shape_cast %add3A_455 : vector<16xf32> to vector<1x16xf32>
        tpu.vector_store %arg14[%swap3A_456, %swap3A_457], %swap3A_460 {strides = array<i32>} : memref<64x512xf32, #tpu.memory_space<vmem>>, vector<1x16xf32>,
        %get3A_461 = arith.index_cast %scan3A_110 : i32 to index
        %get3A_462 = arith.constant 400 : index
        %get3A_463 = tpu.vector_load %arg14[%get3A_461, %get3A_462] {strides = array<i32>} : memref<64x512xf32, #tpu.memory_space<vmem>>, vector<1x16xf32>,
        %get3A_464 = vector.shape_cast %get3A_463 : vector<1x16xf32> to vector<16xf32>
        %get3A_465 = arith.index_cast %scan3A_110 : i32 to index
        %get3A_466 = arith.constant 400 : index
        %get3A_467 = tpu.vector_load %arg15[%get3A_465, %get3A_466] {strides = array<i32>} : memref<64x512xf32, #tpu.memory_space<vmem>>, vector<1x16xf32>,
        %get3A_468 = vector.shape_cast %get3A_467 : vector<1x16xf32> to vector<16xf32>
        %add3A_469 = arith.addf %get3A_464, %get3A_468 : vector<16xf32>
        %swap3A_470 = arith.index_cast %scan3A_110 : i32 to index
        %swap3A_471 = arith.constant 400 : index
        %swap3A_472 = tpu.vector_load %arg14[%swap3A_470, %swap3A_471] {strides = array<i32>} : memref<64x512xf32, #tpu.memory_space<vmem>>, vector<1x16xf32>,
        %swap3A_473 = vector.shape_cast %swap3A_472 : vector<1x16xf32> to vector<16xf32>
        %swap3A_474 = vector.shape_cast %add3A_469 : vector<16xf32> to vector<1x16xf32>
        tpu.vector_store %arg14[%swap3A_470, %swap3A_471], %swap3A_474 {strides = array<i32>} : memref<64x512xf32, #tpu.memory_space<vmem>>, vector<1x16xf32>,
        %get3A_475 = arith.index_cast %scan3A_110 : i32 to index
        %get3A_476 = arith.constant 416 : index
        %get3A_477 = tpu.vector_load %arg14[%get3A_475, %get3A_476] {strides = array<i32>} : memref<64x512xf32, #tpu.memory_space<vmem>>, vector<1x16xf32>,
        %get3A_478 = vector.shape_cast %get3A_477 : vector<1x16xf32> to vector<16xf32>
        %get3A_479 = arith.index_cast %scan3A_110 : i32 to index
        %get3A_480 = arith.constant 416 : index
        %get3A_481 = tpu.vector_load %arg15[%get3A_479, %get3A_480] {strides = array<i32>} : memref<64x512xf32, #tpu.memory_space<vmem>>, vector<1x16xf32>,
        %get3A_482 = vector.shape_cast %get3A_481 : vector<1x16xf32> to vector<16xf32>
        %add3A_483 = arith.addf %get3A_478, %get3A_482 : vector<16xf32>
        %swap3A_484 = arith.index_cast %scan3A_110 : i32 to index
        %swap3A_485 = arith.constant 416 : index
        %swap3A_486 = tpu.vector_load %arg14[%swap3A_484, %swap3A_485] {strides = array<i32>} : memref<64x512xf32, #tpu.memory_space<vmem>>, vector<1x16xf32>,
        %swap3A_487 = vector.shape_cast %swap3A_486 : vector<1x16xf32> to vector<16xf32>
        %swap3A_488 = vector.shape_cast %add3A_483 : vector<16xf32> to vector<1x16xf32>
        tpu.vector_store %arg14[%swap3A_484, %swap3A_485], %swap3A_488 {strides = array<i32>} : memref<64x512xf32, #tpu.memory_space<vmem>>, vector<1x16xf32>,
        %get3A_489 = arith.index_cast %scan3A_110 : i32 to index
        %get3A_490 = arith.constant 432 : index
        %get3A_491 = tpu.vector_load %arg14[%get3A_489, %get3A_490] {strides = array<i32>} : memref<64x512xf32, #tpu.memory_space<vmem>>, vector<1x16xf32>,
        %get3A_492 = vector.shape_cast %get3A_491 : vector<1x16xf32> to vector<16xf32>
        %get3A_493 = arith.index_cast %scan3A_110 : i32 to index
        %get3A_494 = arith.constant 432 : index
        %get3A_495 = tpu.vector_load %arg15[%get3A_493, %get3A_494] {strides = array<i32>} : memref<64x512xf32, #tpu.memory_space<vmem>>, vector<1x16xf32>,
        %get3A_496 = vector.shape_cast %get3A_495 : vector<1x16xf32> to vector<16xf32>
        %add3A_497 = arith.addf %get3A_492, %get3A_496 : vector<16xf32>
        %swap3A_498 = arith.index_cast %scan3A_110 : i32 to index
        %swap3A_499 = arith.constant 432 : index
        %swap3A_500 = tpu.vector_load %arg14[%swap3A_498, %swap3A_499] {strides = array<i32>} : memref<64x512xf32, #tpu.memory_space<vmem>>, vector<1x16xf32>,
        %swap3A_501 = vector.shape_cast %swap3A_500 : vector<1x16xf32> to vector<16xf32>
        %swap3A_502 = vector.shape_cast %add3A_497 : vector<16xf32> to vector<1x16xf32>
        tpu.vector_store %arg14[%swap3A_498, %swap3A_499], %swap3A_502 {strides = array<i32>} : memref<64x512xf32, #tpu.memory_space<vmem>>, vector<1x16xf32>,
        %get3A_503 = arith.index_cast %scan3A_110 : i32 to index
        %get3A_504 = arith.constant 448 : index
        %get3A_505 = tpu.vector_load %arg14[%get3A_503, %get3A_504] {strides = array<i32>} : memref<64x512xf32, #tpu.memory_space<vmem>>, vector<1x16xf32>,
        %get3A_506 = vector.shape_cast %get3A_505 : vector<1x16xf32> to vector<16xf32>
        %get3A_507 = arith.index_cast %scan3A_110 : i32 to index
        %get3A_508 = arith.constant 448 : index
        %get3A_509 = tpu.vector_load %arg15[%get3A_507, %get3A_508] {strides = array<i32>} : memref<64x512xf32, #tpu.memory_space<vmem>>, vector<1x16xf32>,
        %get3A_510 = vector.shape_cast %get3A_509 : vector<1x16xf32> to vector<16xf32>
        %add3A_511 = arith.addf %get3A_506, %get3A_510 : vector<16xf32>
        %swap3A_512 = arith.index_cast %scan3A_110 : i32 to index
        %swap3A_513 = arith.constant 448 : index
        %swap3A_514 = tpu.vector_load %arg14[%swap3A_512, %swap3A_513] {strides = array<i32>} : memref<64x512xf32, #tpu.memory_space<vmem>>, vector<1x16xf32>,
        %swap3A_515 = vector.shape_cast %swap3A_514 : vector<1x16xf32> to vector<16xf32>
        %swap3A_516 = vector.shape_cast %add3A_511 : vector<16xf32> to vector<1x16xf32>
        tpu.vector_store %arg14[%swap3A_512, %swap3A_513], %swap3A_516 {strides = array<i32>} : memref<64x512xf32, #tpu.memory_space<vmem>>, vector<1x16xf32>,
        %get3A_517 = arith.index_cast %scan3A_110 : i32 to index
        %get3A_518 = arith.constant 464 : index
        %get3A_519 = tpu.vector_load %arg14[%get3A_517, %get3A_518] {strides = array<i32>} : memref<64x512xf32, #tpu.memory_space<vmem>>, vector<1x16xf32>,
        %get3A_520 = vector.shape_cast %get3A_519 : vector<1x16xf32> to vector<16xf32>
        %get3A_521 = arith.index_cast %scan3A_110 : i32 to index
        %get3A_522 = arith.constant 464 : index
        %get3A_523 = tpu.vector_load %arg15[%get3A_521, %get3A_522] {strides = array<i32>} : memref<64x512xf32, #tpu.memory_space<vmem>>, vector<1x16xf32>,
        %get3A_524 = vector.shape_cast %get3A_523 : vector<1x16xf32> to vector<16xf32>
        %add3A_525 = arith.addf %get3A_520, %get3A_524 : vector<16xf32>
        %swap3A_526 = arith.index_cast %scan3A_110 : i32 to index
        %swap3A_527 = arith.constant 464 : index
        %swap3A_528 = tpu.vector_load %arg14[%swap3A_526, %swap3A_527] {strides = array<i32>} : memref<64x512xf32, #tpu.memory_space<vmem>>, vector<1x16xf32>,
        %swap3A_529 = vector.shape_cast %swap3A_528 : vector<1x16xf32> to vector<16xf32>
        %swap3A_530 = vector.shape_cast %add3A_525 : vector<16xf32> to vector<1x16xf32>
        tpu.vector_store %arg14[%swap3A_526, %swap3A_527], %swap3A_530 {strides = array<i32>} : memref<64x512xf32, #tpu.memory_space<vmem>>, vector<1x16xf32>,
        %get3A_531 = arith.index_cast %scan3A_110 : i32 to index
        %get3A_532 = arith.constant 480 : index
        %get3A_533 = tpu.vector_load %arg14[%get3A_531, %get3A_532] {strides = array<i32>} : memref<64x512xf32, #tpu.memory_space<vmem>>, vector<1x16xf32>,
        %get3A_534 = vector.shape_cast %get3A_533 : vector<1x16xf32> to vector<16xf32>
        %get3A_535 = arith.index_cast %scan3A_110 : i32 to index
        %get3A_536 = arith.constant 480 : index
        %get3A_537 = tpu.vector_load %arg15[%get3A_535, %get3A_536] {strides = array<i32>} : memref<64x512xf32, #tpu.memory_space<vmem>>, vector<1x16xf32>,
        %get3A_538 = vector.shape_cast %get3A_537 : vector<1x16xf32> to vector<16xf32>
        %add3A_539 = arith.addf %get3A_534, %get3A_538 : vector<16xf32>
        %swap3A_540 = arith.index_cast %scan3A_110 : i32 to index
        %swap3A_541 = arith.constant 480 : index
        %swap3A_542 = tpu.vector_load %arg14[%swap3A_540, %swap3A_541] {strides = array<i32>} : memref<64x512xf32, #tpu.memory_space<vmem>>, vector<1x16xf32>,
        %swap3A_543 = vector.shape_cast %swap3A_542 : vector<1x16xf32> to vector<16xf32>
        %swap3A_544 = vector.shape_cast %add3A_539 : vector<16xf32> to vector<1x16xf32>
        tpu.vector_store %arg14[%swap3A_540, %swap3A_541], %swap3A_544 {strides = array<i32>} : memref<64x512xf32, #tpu.memory_space<vmem>>, vector<1x16xf32>,
        %get3A_545 = arith.index_cast %scan3A_110 : i32 to index
        %get3A_546 = arith.constant 496 : index
        %get3A_547 = tpu.vector_load %arg14[%get3A_545, %get3A_546] {strides = array<i32>} : memref<64x512xf32, #tpu.memory_space<vmem>>, vector<1x16xf32>,
        %get3A_548 = vector.shape_cast %get3A_547 : vector<1x16xf32> to vector<16xf32>
        %get3A_549 = arith.index_cast %scan3A_110 : i32 to index
        %get3A_550 = arith.constant 496 : index
        %get3A_551 = tpu.vector_load %arg15[%get3A_549, %get3A_550] {strides = array<i32>} : memref<64x512xf32, #tpu.memory_space<vmem>>, vector<1x16xf32>,
        %get3A_552 = vector.shape_cast %get3A_551 : vector<1x16xf32> to vector<16xf32>
        %add3A_553 = arith.addf %get3A_548, %get3A_552 : vector<16xf32>
        %swap3A_554 = arith.index_cast %scan3A_110 : i32 to index
        %swap3A_555 = arith.constant 496 : index
        %swap3A_556 = tpu.vector_load %arg14[%swap3A_554, %swap3A_555] {strides = array<i32>} : memref<64x512xf32, #tpu.memory_space<vmem>>, vector<1x16xf32>,
        %swap3A_557 = vector.shape_cast %swap3A_556 : vector<1x16xf32> to vector<16xf32>
        %swap3A_558 = vector.shape_cast %add3A_553 : vector<16xf32> to vector<1x16xf32>
        tpu.vector_store %arg14[%swap3A_554, %swap3A_555], %swap3A_558 {strides = array<i32>} : memref<64x512xf32, #tpu.memory_space<vmem>>, vector<1x16xf32>,
      }
      %scan3A_109 = arith.constant 64 : i32
      "tpu.region"() ({
        %run_scoped3A = tpu.sem_alloc : memref<!tpu.dma_semaphore, #tpu.memory_space<semaphore_mem>>
        %dma_start3A_110 = arith.constant 0 : i32
        %dma_start3A_111 = tpu.memref_slice %arg8[%add3A_11, %dma_start3A_110] : memref<204800x512xf32, #tpu.memory_space<hbm>> -> memref<64x512xf32, #tpu.memory_space<hbm>>
        %dma_start3A_112 = arith.constant 0 : i32
        %dma_start3A_113 = tpu.memref_slice %arg8[%add3A_11, %dma_start3A_112] : memref<204800x512xf32, #tpu.memory_space<hbm>> -> memref<64x512xf32, #tpu.memory_space<hbm>>
        tpu.enqueue_dma source(%arg14 : memref<64x512xf32, #tpu.memory_space<vmem>>) target(%dma_start3A_113 : memref<64x512xf32, #tpu.memory_space<hbm>>) target_semaphore(%run_scoped3A : memref<!tpu.dma_semaphore, #tpu.memory_space<semaphore_mem>>)
        %dma_wait3A_114 = arith.constant 0 : i32
        %dma_wait3A_115 = tpu.memref_slice %arg8[%add3A_11, %dma_wait3A_114] : memref<204800x512xf32, #tpu.memory_space<hbm>> -> memref<64x512xf32, #tpu.memory_space<hbm>>
        %dma_wait3A_116 = arith.constant 0 : i32
        %dma_wait3A_117 = tpu.memref_slice %arg8[%add3A_11, %dma_wait3A_116] : memref<204800x512xf32, #tpu.memory_space<hbm>> -> memref<64x512xf32, #tpu.memory_space<hbm>>
        tpu.wait_dma2 semaphore(%run_scoped3A : memref<!tpu.dma_semaphore, #tpu.memory_space<semaphore_mem>>) src(%arg14 : memref<64x512xf32, #tpu.memory_space<vmem>>) dst(%dma_wait3A_117 : memref<64x512xf32, #tpu.memory_space<hbm>>)
        tpu.yield
      }) : () -> ()
    }
    %scan3A_7 = arith.constant 100 : i32
    return
  }
}

module attributes {stable_mosaic.version = 14 : i64} {
  func.func @_proj_body(%arg0: i32, %arg1: memref<2000x300xf32, #tpu.memory_space<vmem>>, %arg2: memref<300x512xf32, #tpu.memory_space<vmem>>, %arg3: memref<1x512xf32, #tpu.memory_space<vmem>>, %arg4: memref<2000x512xf32, #tpu.memory_space<vmem>>) attributes {dimension_semantics = [#tpu.dimension_semantics<arbitrary>], iteration_bounds = array<i64: 50>, scalar_prefetch = 0 : i64, scratch_operands = 0 : i64, tpu.core_type = #tpu.core_type<tc>, window_params = [{transform_indices = @transform_0, window_bounds = array<i64: 2000, 300>}, {pipeline_mode = #tpu.pipeline_mode<synchronous>, transform_indices = @transform_1, window_bounds = array<i64: 300, 512>}, {pipeline_mode = #tpu.pipeline_mode<synchronous>, transform_indices = @transform_2, window_bounds = array<i64: 1, 512>}, {transform_indices = @transform_3, window_bounds = array<i64: 2000, 512>}]} {
    %get3A = arith.constant 0 : index
    %get3A_0 = arith.constant 0 : index
    %get3A_1 = vector.load %arg1[%get3A, %get3A_0] : memref<2000x300xf32, #tpu.memory_space<vmem>>, vector<2000x300xf32>
    %get3A_2 = arith.constant 0 : index
    %get3A_3 = arith.constant 0 : index
    %get3A_4 = vector.load %arg2[%get3A_2, %get3A_3] : memref<300x512xf32, #tpu.memory_space<vmem>>, vector<300x512xf32>
    %dot_general3A = arith.constant dense<0.000000e+00> : vector<2000x512xf32>
    %dot_general3A_5 = tpu.matmul %get3A_1, %get3A_4, %dot_general3A {dimension_numbers = #tpu.dot_dimension_numbers<[1], [0], [0], [1], [0, 0, 1, 1], [], []>, transpose_lhs_hint = false} : vector<2000x300xf32>, vector<300x512xf32>, vector<2000x512xf32> -> vector<2000x512xf32>
    %get3A_6 = arith.constant 0 : index
    %get3A_7 = arith.constant 0 : index
    %get3A_8 = vector.load %arg3[%get3A_6, %get3A_7] : memref<1x512xf32, #tpu.memory_space<vmem>>, vector<1x512xf32>
    %add3A = vector.broadcast %get3A_8 : vector<1x512xf32> to vector<2000x512xf32>
    %add3A_9 = arith.addf %dot_general3A_5, %add3A : vector<2000x512xf32>
    %swap3A = arith.constant 0 : index
    %swap3A_10 = arith.constant 0 : index
    %swap3A_11 = vector.load %arg4[%swap3A, %swap3A_10] : memref<2000x512xf32, #tpu.memory_space<vmem>>, vector<2000x512xf32>
    tpu.vector_store %arg4[%swap3A, %swap3A_10], %add3A_9 {strides = array<i32>} : memref<2000x512xf32, #tpu.memory_space<vmem>>, vector<2000x512xf32>,
    return
  }
  func.func @transform_0(%arg0: i32) -> (i32, i32) {
    %c0_i32 = arith.constant 0 : i32
    %c0_i32_0 = arith.constant 0 : i32
    return %arg0, %c0_i32 : i32, i32
  }
  func.func @transform_1(%arg0: i32) -> (i32, i32) {
    %c0_i32 = arith.constant 0 : i32
    %c0_i32_0 = arith.constant 0 : i32
    %c0_i32_1 = arith.constant 0 : i32
    return %c0_i32, %c0_i32_0 : i32, i32
  }
  func.func @transform_2(%arg0: i32) -> (i32, i32) {
    %c0_i32 = arith.constant 0 : i32
    %c0_i32_0 = arith.constant 0 : i32
    %c0_i32_1 = arith.constant 0 : i32
    return %c0_i32, %c0_i32_0 : i32, i32
  }
  func.func @transform_3(%arg0: i32) -> (i32, i32) {
    %c0_i32 = arith.constant 0 : i32
    %c0_i32_0 = arith.constant 0 : i32
    return %arg0, %c0_i32 : i32, i32
  }
}

module attributes {stable_mosaic.version = 14 : i64} {
  func.func @_comb_body(%arg0: memref<5x16xf32, #tpu.memory_space<vmem>>, %arg1: memref<50x16xf32, #tpu.memory_space<vmem>>, %arg2: memref<20x16xf32, #tpu.memory_space<vmem>>, %arg3: memref<16x512xf32, #tpu.memory_space<vmem>>, %arg4: memref<16x512xf32, #tpu.memory_space<vmem>>, %arg5: memref<16x512xf32, #tpu.memory_space<vmem>>, %arg6: memref<5000x512xf32, #tpu.memory_space<vmem>>) attributes {dimension_semantics = [], scalar_prefetch = 0 : i64, scratch_operands = 0 : i64, tpu.core_type = #tpu.core_type<tc>} {
    %get3A = arith.constant 0 : index
    %get3A_0 = arith.constant 0 : index
    %get3A_1 = vector.load %arg0[%get3A, %get3A_0] : memref<5x16xf32, #tpu.memory_space<vmem>>, vector<5x16xf32>
    %get3A_2 = arith.constant 0 : index
    %get3A_3 = arith.constant 0 : index
    %get3A_4 = vector.load %arg3[%get3A_2, %get3A_3] : memref<16x512xf32, #tpu.memory_space<vmem>>, vector<16x512xf32>
    %dot_general3A = arith.constant dense<0.000000e+00> : vector<5x512xf32>
    %dot_general3A_5 = tpu.matmul %get3A_1, %get3A_4, %dot_general3A {dimension_numbers = #tpu.dot_dimension_numbers<[1], [0], [0], [1], [0, 0, 1, 1], [], []>, transpose_lhs_hint = false} : vector<5x16xf32>, vector<16x512xf32>, vector<5x512xf32> -> vector<5x512xf32>
    %get3A_6 = arith.constant 0 : index
    %get3A_7 = arith.constant 0 : index
    %get3A_8 = vector.load %arg1[%get3A_6, %get3A_7] : memref<50x16xf32, #tpu.memory_space<vmem>>, vector<50x16xf32>
    %get3A_9 = arith.constant 0 : index
    %get3A_10 = arith.constant 0 : index
    %get3A_11 = vector.load %arg4[%get3A_9, %get3A_10] : memref<16x512xf32, #tpu.memory_space<vmem>>, vector<16x512xf32>
    %dot_general3A_12 = arith.constant dense<0.000000e+00> : vector<50x512xf32>
    %dot_general3A_13 = tpu.matmul %get3A_8, %get3A_11, %dot_general3A_12 {dimension_numbers = #tpu.dot_dimension_numbers<[1], [0], [0], [1], [0, 0, 1, 1], [], []>, transpose_lhs_hint = false} : vector<50x16xf32>, vector<16x512xf32>, vector<50x512xf32> -> vector<50x512xf32>
    %get3A_14 = arith.constant 0 : index
    %get3A_15 = arith.constant 0 : index
    %get3A_16 = vector.load %arg2[%get3A_14, %get3A_15] : memref<20x16xf32, #tpu.memory_space<vmem>>, vector<20x16xf32>
    %get3A_17 = arith.constant 0 : index
    %get3A_18 = arith.constant 0 : index
    %get3A_19 = vector.load %arg5[%get3A_17, %get3A_18] : memref<16x512xf32, #tpu.memory_space<vmem>>, vector<16x512xf32>
    %dot_general3A_20 = arith.constant dense<0.000000e+00> : vector<20x512xf32>
    %dot_general3A_21 = tpu.matmul %get3A_16, %get3A_19, %dot_general3A_20 {dimension_numbers = #tpu.dot_dimension_numbers<[1], [0], [0], [1], [0, 0, 1, 1], [], []>, transpose_lhs_hint = false} : vector<20x16xf32>, vector<16x512xf32>, vector<20x512xf32> -> vector<20x512xf32>
    %broadcast_in_dim3A = vector.shape_cast %dot_general3A_5 : vector<5x512xf32> to vector<5x1x1x512xf32>
    %broadcast_in_dim3A_22 = vector.shape_cast %dot_general3A_13 : vector<50x512xf32> to vector<1x50x1x512xf32>
    %add3A = vector.broadcast %broadcast_in_dim3A : vector<5x1x1x512xf32> to vector<5x50x1x512xf32>
    %add3A_23 = vector.broadcast %broadcast_in_dim3A_22 : vector<1x50x1x512xf32> to vector<5x50x1x512xf32>
    %add3A_24 = arith.addf %add3A, %add3A_23 : vector<5x50x1x512xf32>
    %broadcast_in_dim3A_25 = vector.shape_cast %dot_general3A_21 : vector<20x512xf32> to vector<1x1x20x512xf32>
    %add3A_26 = vector.broadcast %add3A_24 : vector<5x50x1x512xf32> to vector<5x50x20x512xf32>
    %add3A_27 = vector.broadcast %broadcast_in_dim3A_25 : vector<1x1x20x512xf32> to vector<5x50x20x512xf32>
    %add3A_28 = arith.addf %add3A_26, %add3A_27 : vector<5x50x20x512xf32>
    %reshape3A = vector.shape_cast %add3A_28 : vector<5x50x20x512xf32> to vector<5000x512xf32>
    %swap3A = arith.constant 0 : index
    %swap3A_29 = arith.constant 0 : index
    %swap3A_30 = vector.load %arg6[%swap3A, %swap3A_29] : memref<5000x512xf32, #tpu.memory_space<vmem>>, vector<5000x512xf32>
    tpu.vector_store %arg6[%swap3A, %swap3A_29], %reshape3A {strides = array<i32>} : memref<5000x512xf32, #tpu.memory_space<vmem>>, vector<5000x512xf32>,
    return
  }
}

</mosaic_0001>

<sc_bundles>
// kernel: kernel.5.cloned.1.call-start
scs
__scs_entry_jumppad:
0x0: {  	(pc) =	sbr.rel $0x88, $3  }
0x1: {  	(tag) =	ssettag $0x0;
	lr =	simm.s32 $0x1  }
0x2: {  	[smem:$0x3F97] =	sst lr;
	_ =	strace $0xD0000000  }
0x3: {  	_ = 	snop  }
0x4: {  	_ = 	snop  }
0x5: {  	_ = 	snop  }
0x6: {  	_ = 	snop  }
0x7: {  	_ = 	snop  }
__scs_overlays_trampoline_lowered:
0x8: {  	[smem:$0x3FA6] =	sst s0  }
0x9: {  	[smem:$0x3FA7] =	sst s1  }
0xa: {  	[smem:$0x3FA8] =	sst s2  }
0xb: {  	[smem:$0x3FA9] =	sst s3  }
0xc: {  	[smem:$0x3FAA] =	sst s4  }
0xd: {  	[smem:$0x3FAB] =	sst s5  }
0xe: {  	[smem:$0x3FAC] =	sst s6  }
0xf: {  	[smem:$0x3FAD] =	sst s7  }
0x10: {  	[smem:$0x3FAE] =	sst s8  }
0x11: {  	[smem:$0x3FAF] =	sst s9;
	s0 =	simm.s32 @!p0 $0x0  }
0x12: {  	s1 =	sld [smem:$0x3F95];
	s0 =	simm.s32 @p0 $0x1  }
0x13: {  	[smem:$0x3FB0] =	sst s0;
	s0 =	simm.s32 @!p1 $0x0  }
0x14: {  	s2 =	sld [smem:$0x3F94];
	s0 =	simm.s32 @p1 $0x1  }
0x15: {  	[smem:$0x3FB1] =	sst s0;
	s0 =	simm.s32 @!p2 $0x0  }
0x16: {  	s3 =	sld [smem:$0x3FDB];
	s0 =	simm.s32 @p2 $0x1  }
0x17: {  	s4 =	simm.s32 $0x1BF5;
	[smem:$0x3FB3] =	sst s0  }
0x18: {  	s0 =	sld [smem:$0x3F96];
	_ =	swait.ge [sflag:s4], $0x0  }
0x19: {  	s7 =	sld [smem:$0x3F97]  }
0x1a: {  	s8 =	sadd.s32 $0xFFFFE003, lr  }
0x1b: {  	s9 =	sadd.s32 $0xFFFFFEF7, lr;
	s5 =	simm.s32 $0xFFFFFFFF;
	p2 =	slt.u32 s8, $0xFFFFF086  }
0x1c: {  	p1 =	slt.u32 s9, $0xF7A;
	s5 =	simm.s32 @!p2 $0x0  }
0x1d: {  	s5 =	simm.s32 @p1 $0x1;
	p0 =	seq.s32 s7, s2  }
0x1e: {  	s7 =	smul.u32 @!p0 $0xF7A, s2;
	p2 =	seq.s32 @!p0 s5, $0x0  }
0x1f: {  	s9 =	smul.u32 $0xF7A, s1;
	s8 =	simm.s32 @!p0 $0x1BF5;
	p2 =	por !p2, p0  }
0x20: {  	[sflag:s8] =	ssyncset.s32 @!p0 $0xFFFFF086;
	s6 =	sadd.s32 @!p0 s3, s7;
	s7 =	simm.s32 @!p0 $0x108  }
0x21: {  	s3 =	sadd.s32 s3, s9;
	s6 =	sadd.s32 @!p0 $0x88, s6;
	s7 =	simm.s32 @p2 $0x1082  }
0x22: {  	[simem:s7], [sflag:s8] =	dma.local @!p0 [hbm:s6], $0xF7A  }
0x23: {  	s9 =	sor.u32 $0xD0000000, s2;
	s6 =	simm.s32 $0x108;
	_ =	swait.ge @!p0 [sflag:s8], $0x0  }
0x24: {  	s3 =	sadd.s32 $0x88, s3;
	s6 =	simm.s32 @!p1 $0x1082;
	[sflag:s4] =	ssyncset.s32 $0xFFFFF086  }
0x25: {  	[simem:s6], [sflag:s4] =	dma.local [hbm:s3], $0xF7A  }
0x26: {  	[smem:$0x3F97] =	sst s1;
	(tag) =	ssettag s2;
	_ =	strace s9  }
0x27: {  	s1 =	sld [smem:$0x3FA7]  }
0x28: {  	s2 =	sld [smem:$0x3FA8]  }
0x29: {  	s4 =	sld [smem:$0x3FAA]  }
0x2a: {  	p0 =	seq.s32 s5, $0x0;
	s5 =	sld [smem:$0x3FAB]  }
0x2b: {  	s6 =	sld [smem:$0x3FAC]  }
0x2c: {  	s7 =	sld [smem:$0x3FAD]  }
0x2d: {  	s3 =	simm.s32 $0x108;
	s8 =	sld [smem:$0x3FAE]  }
0x2e: {  	s3 =	simm.s32 @!p0 $0x1082;
	s9 =	sld [smem:$0x3FAF]  }
0x2f: {  	lr =	sadd.s32 s0, s3;
	s0 =	sld [smem:$0x3FA6]  }
0x30: {  	s3 =	sld [smem:$0x3FA9]  }
0x31: {  	[smem:$0x3FB2] =	sst s10  }
0x32: {  	s10 =	sld [smem:$0x3FB0];
	_ =	sdelay $0x3  }
0x33: {  	p0 =	seq.s32 s10, $0x1;
	s10 =	sld [smem:$0x3FB2];
	_ =	sdelay $0x3  }
0x34: {  	[smem:$0x3FB2] =	sst s10  }
0x35: {  	s10 =	sld [smem:$0x3FB1];
	_ =	sdelay $0x3  }
0x36: {  	p1 =	seq.s32 s10, $0x1;
	s10 =	sld [smem:$0x3FB2];
	_ =	sdelay $0x3  }
0x37: {  	[smem:$0x3FB2] =	sst s10  }
0x38: {  	s10 =	sld [smem:$0x3FB3]  }
0x39: {  	_ = 	snop;
	(pc) =	sbr.ind lr, $3  }
0x3a: {  	_ = 	snop  }
0x3b: {  	_ = 	snop  }
0x3c: {  	p2 =	seq.s32 s10, $0x1;
	s10 =	sld [smem:$0x3FB2]  }
0x3d: {  	_ =	shalt  }
0x3e: {  	_ =	shalt  }
0x3f: {  	_ =	shalt  }
0x40: {  	_ =	shalt  }
0x41: {  	_ =	shalt  }
0x42: {  	_ =	shalt  }
0x43: {  	_ =	shalt  }
0x44: {  	_ =	shalt  }
0x45: {  	_ =	shalt  }
0x46: {  	_ =	shalt  }
0x47: {  	_ =	shalt  }
0x48: {  	_ =	shalt  }
0x49: {  	_ =	shalt  }
0x4a: {  	_ =	shalt  }
0x4b: {  	_ =	shalt  }
0x4c: {  	_ =	shalt  }
0x4d: {  	_ =	shalt  }
0x4e: {  	_ =	shalt  }
0x4f: {  	_ =	shalt  }
0x50: {  	_ =	shalt  }
0x51: {  	_ =	shalt  }
0x52: {  	_ =	shalt  }
0x53: {  	_ =	shalt  }
0x54: {  	_ =	shalt  }
0x55: {  	_ =	shalt  }
0x56: {  	_ =	shalt  }
0x57: {  	_ =	shalt  }
0x58: {  	_ =	shalt  }
0x59: {  	_ =	shalt  }
0x5a: {  	_ =	shalt  }
0x5b: {  	_ =	shalt  }
0x5c: {  	_ =	shalt  }
0x5d: {  	_ =	shalt  }
0x5e: {  	_ =	shalt  }
0x5f: {  	_ =	shalt  }
0x60: {  	_ =	shalt  }
0x61: {  	_ =	shalt  }
0x62: {  	_ =	shalt  }
0x63: {  	_ =	shalt  }
0x64: {  	_ =	shalt  }
0x65: {  	_ =	shalt  }
0x66: {  	_ =	shalt  }
0x67: {  	_ =	shalt  }
0x68: {  	_ =	shalt  }
0x69: {  	_ =	shalt  }
0x6a: {  	_ =	shalt  }
0x6b: {  	_ =	shalt  }
0x6c: {  	_ =	shalt  }
0x6d: {  	_ =	shalt  }
0x6e: {  	_ =	shalt  }
0x6f: {  	_ =	shalt  }
0x70: {  	_ =	shalt  }
0x71: {  	_ =	shalt  }
0x72: {  	_ =	shalt  }
0x73: {  	_ =	shalt  }
0x74: {  	_ =	shalt  }
0x75: {  	_ =	shalt  }
0x76: {  	_ =	shalt  }
0x77: {  	_ =	shalt  }
0x78: {  	_ =	shalt  }
0x79: {  	_ =	shalt  }
0x7a: {  	_ =	shalt  }
0x7b: {  	_ =	shalt  }
0x7c: {  	_ =	shalt  }
0x7d: {  	_ =	shalt  }
0x7e: {  	_ =	shalt  }
0x7f: {  	_ =	shalt  }
0x80: {  	_ =	shalt  }
0x81: {  	_ =	shalt  }
0x82: {  	_ =	shalt  }
0x83: {  	_ =	shalt  }
0x84: {  	_ =	shalt  }
0x85: {  	_ =	shalt  }
0x86: {  	_ =	shalt  }
0x87: {  	_ =	shalt  }
.Lfunc_end0:
.L_simem_size_0:
called_computation_lowered:
.L_overlay_start_0:
0x88: {  	s2 =	sld [smem:$0x3FD9]  }
0x89: {  	s3 =	sld [smem:$0x3FFE];
	_ =	sdelay $0x1  }
0x8a: {  	s1 =	srdreg.scid  }
0x8b: {  	s0 =	sand.u32 $0x1, s1  }
0x8c: {  	s17 =	sshll.u32 s0, $0xA;
	s2 =	sadd.s32 s3, s2  }
0x8d: {  	s2 =	sadd.s32 s2, s17  }
0x8e: {  	[smem:$0x3FBE] =	sst s2  }
0x8f: {  	_ = 	snop  }
0x90: {  	s2 =	sld [smem:$0x3FD0];
	(tm) =	ssettm $0x1  }
0x91: {  	s18 =	sld [smem:$0x3FFB];
	_ =	sdelay $0x3  }
0x92: {  	_ =	strace s18  }
0x93: {  	s3 =	sld [smem:$0x3FFC];
	_ =	sdelay $0x3  }
0x94: {  	_ =	strace s3  }
0x95: {  	s3 =	sld [smem:$0x3FFD];
	_ =	sdelay $0x3  }
0x96: {  	_ =	strace s3  }
0x97: {  	_ =	strace $0x8FFFFFFF  }
0x98: {  	s19 =	sld [smem:$0x3FDB];
	_ =	sdelay $0x1  }
0x99: {  	s4 =	simm.s32 $_scs_section_size  }
0x9a: {  	s5 =	simm.s32 $_size__tile_overlayer_lowered;
	s6 =	simm.s32 $_tile_overlayer_lowered  }
0x9b: {  	s22 =	simm.s32 $0x1BFF;
	s21 =	sshll.u32 s6, $0x1;
	s3 =	sadd.s32 s4, s19  }
0x9c: {  	s7 =	simm.s32 $0x0;
	s20 =	sshll.u32 s5, $0x1;
	s5 =	sadd.s32 s21, s3  }
0x9d: {  	[timem:s7], [sflag:s22] =	dma.local [hbm:s5], s20  }
0x9e: {  	_ =	swait.ge [sflag:s22], s20  }
0x9f: {  	s4 =	ssub.s32 $0x0, s20;
	[sflag:s22] =	ssyncset.done $0x0  }
0xa0: {  	[sflag:s22] =	ssyncadd.s32 s4;
	_ =	sdelay $0x1  }
0xa1: {  	s23 =	simm.s32 $0x1B8B  }
0xa2: {  	_ =	swait.ge [sflag:s23], $0x1  }
0xa3: {  	[sflag:s23] =	ssyncset.done $0x0  }
0xa4: {  	s25 =	simm.s32 $0x1B8E;
	s24 =	sld [smem:$0x3FFE];
	[sflag:s23] =	ssyncadd.s32 $0xFFFFFFFF  }
0xa5: {  	s26 =	simm.s32 $execute0_lowered;
	[smem:$0x3FD2] =	sst s25  }
0xa6: {  	s5 =	sshll.u32 s26, $0x1;
	_ =	strace $0x80000046;
	[dreg:$0x1] =	wrdreg $0xFFFFFFFF  }
0xa7: {  	s28 =	simm.s32 $_size_execute0_lowered;
	s3 =	sadd.s32 s3, s5;
	[dreg:$0x0] =	wrdreg $0x0  }
0xa8: {  	s5 =	sshll.u32 s28, $0x1;
	[dreg:$0x2] =	wrdreg s3  }
0xa9: {  	[dreg:$0x3] =	wrdreg s5  }
0xaa: {  	[dreg:$0x4] =	wrdreg $0xC0  }
0xab: {  	_ =	task [dreg:s7], $0x5FFFF  }
0xac: {  	[dreg:$0x1] =	wrdreg $0xFFFFFFFF  }
0xad: {  	[dreg:$0x0] =	wrdreg $0x60  }
0xae: {  	[dreg:$0x2] =	wrdreg s24  }
0xaf: {  	[dreg:$0x3] =	wrdreg s2  }
0xb0: {  	[dreg:$0x4] =	wrdreg $0x9  }
0xb1: {  	_ =	task.clear_ibuf [dreg:s7], $0x5FFFF;
	_ =	strace $0x90000046  }
0xb2: {  	s29 =	simm.s32 $0x9;
	_ =	strace $0x80000048  }
0xb3: {  	_ =	swait.ge [sflag:s29], $0x1  }
0xb4: {  	[sflag:s29] =	ssyncadd.s32 $0xFFFFFFFF  }
0xb5: {  	_ =	strace $0x90000048  }
0xb6: {  	_ =	sfence  }
0xb7: {  	s30 =	sld [smem:$0x0];
	_ =	sdelay $0x2  }
0xb8: {  	s31 =	sshll.u32 s1, $0xD;
	s1 =	sshrl.u32 s1, $0x2  }
0xb9: {  	s3 =	sand.u32 $0x4000, s31;
	s1 =	sadd.s32 s1, s30  }
0xba: {  	s0 =	sor.u32 s3, s0;
	s1 =	sshll.u32 s1, $0x11  }
0xbb: {  	s0 =	sor.u32 s1, s0  }
0xbc: {  	s0 =	sadd.s32 $0x8F2B, s0  }
0xbd: {  	[sflag:s0] =	ssyncadd.remote.s32 $0x1  }
0xbe: {  	_ =	sfence.sel $0xFFFF  }
0xbf: {  	[dreg:$0x0] =	wrdreg $0xFFFFFFFF;
	(pc) =	sbr.abs _section_cstart, $3  }
0xc0: {  	[dreg:$0x1] =	wrdreg $0xFFFFFFFF  }
0xc1: {  	_ =	task.clear_ibuf [dreg:s7], $0x2FFFF;
	_ =	strace $0x9FFFFFFF  }
0xc2: {  	(tm) =	ssettm $0x7FFFFFFF  }
0xc3: {  	_ =	shalt  }
tec
execute0_lowered:
.L_overlay_start_1:
0x0: {  	(tag) =	ssettag $0x1  }
0x1: {  	s0 =	rddreg [dreg:$0x0];
	s1 =	simm.s32 $0x0;
	s25 =	srdreg.scid  }
0x2: {  	s9 =	stileid.u32;
	s14 =	simm.s32 $0x2;
	s18 =	simm.s32 $0x280  }
0x3: {  	s17 =	simm.s32 $0xA280;
	s19 =	simm.s32 $0xAA80;
	s20 =	simm.s32 $0xB280  }
0x4: {  	s21 =	simm.s32 $0xBA80;
	s22 =	simm.s32 $0xC280;
	s23 =	simm.s32 $0xCA80  }
0x5: {  	s24 =	simm.s32 $0xD280;
	s28 =	simm.s32 $0xEA80;
	s29 =	simm.s32 $0xF280  }
0x6: {  	s30 =	simm.s32 $0xFA80;
	s31 =	simm.s32 $0x1;
	[smem:$0x7FF] =	sst s1  }
0x7: {  	s3 =	sadd.s32 $0x2800, s0;
	s5 =	sadd.s32 $0x8C00, s0;
	s6 =	sadd.s32 $0xF000, s0  }
0x8: {  	s1 =	sand.u32 $0x1, s25;
	s7 =	sadd.s32 $0x15400, s0;
	s8 =	sadd.s32 $0x1B800, s0  }
0x9: {  	s10 =	sshll.u32 s9, $0x1;
	s9 =	sadd.s32 $0x636000, s0;
	s2 =	ssub.s32 $0x2, s1  }
0xa: {  	s11 =	sadd.s32 $0x1B900, s0;
	s12 =	sadd.s32 $0x636100, s0;
	s4 =	sshrl.u32 s2, $0x1  }
0xb: {  	v2 =	vlaneseq.u32;
	s25 =	simm.s32 $0xDA80;
	s1 =	sor.u32 s1, s10;
	s2 =	ssub.s32 s2, s4  }
0xc: {  	vm0 =	vmmov $0xffff;
	v1 =	vshrl.u32 v2, $0x3;
	_ =	strace $0x80000047;
	s10 =	smul.u32 $0x1900, s1;
	s26 =	smax.u32 s2, $0x1  }
0xd: {  	v0 =	vand.u32 $0x7, v2;
	v2 =	vor.u32 $0x8, v2;
	v1 =	vmul.u32 $0x8, v1;
	s1 =	simm.s32 $0x0;
	[dreg:$0x3] =	wrdreg s26;
	s26 =	simm.s32 $0xE280  }
.LBB2_1:
0xe: {  	[dreg:$0x4] =	wrdreg s1;
	s0 =	simm.s32 $0x0  }
.LBB2_2:
0xf: {  	s1 =	sshll.u32 s0, $0x6  }
0x10: {  	s4 =	sadd.s32 s10, s1  }
0x11: {  	s2 =	sshrl.u32 s4, $0x3  }
0x12: {  	s1 =	simm.s32 $0x0;
	s13 =	sadd.s32 s3, s2  }
0x13: {  	[tilespmem:s1], [sflag:$0x2] =	stream.linear.gather [hbm4b:s13+s1], $0x40, $0x38;
	[tilespmem:$0x10280] =	vst v63  }
0x14: {  	_ =	swait.ge [sflag:s14], $0x40  }
0x15: {  	[sflag:s14] =	ssyncset.done $0x0  }
0x16: {  	s15 =	simm.s32 $0x80;
	s16 =	sadd.s32 s5, s2;
	[sflag:s14] =	ssyncadd.s32 $0xFFFFFFC0  }
0x17: {  	[tilespmem:s15], [sflag:$0x2] =	stream.linear.gather [hbm4b:s16+s1], $0x40, $0x38;
	[tilespmem:$0x10280] =	vst v63  }
0x18: {  	_ =	swait.ge [sflag:s14], $0x40  }
0x19: {  	[sflag:s14] =	ssyncset.done $0x0  }
0x1a: {  	s15 =	sadd.s32 s6, s2;
	s16 =	simm.s32 $0x100;
	[sflag:s14] =	ssyncadd.s32 $0xFFFFFFC0  }
0x1b: {  	[tilespmem:s16], [sflag:$0x2] =	stream.linear.gather [hbm4b:s15+s1], $0x40, $0x38;
	[tilespmem:$0x10280] =	vst v63  }
0x1c: {  	_ =	swait.ge [sflag:s14], $0x40  }
0x1d: {  	[sflag:s14] =	ssyncset.done $0x0  }
0x1e: {  	s2 =	sadd.s32 s7, s2;
	s16 =	simm.s32 $0x180;
	[sflag:s14] =	ssyncadd.s32 $0xFFFFFFC0  }
0x1f: {  	[tilespmem:s16], [sflag:$0x2] =	stream.linear.gather [hbm4b:s2+s1], $0x40, $0x38;
	[tilespmem:$0x10280] =	vst v63  }
0x20: {  	_ =	swait.ge [sflag:s14], $0x40  }
0x21: {  	[sflag:s14] =	ssyncset.done $0x0  }
0x22: {  	[sflag:s14] =	ssyncadd.s32 $0xFFFFFFC0  }
0x23: {  	v3 =	vld [tilespmem:$0x80]  }
0x24: {  	v4 =	vld [tilespmem:$0x100]  }
0x25: {  	v5 =	vld [tilespmem:$0x180]  }
0x26: {  	v6 =	vld [tilespmem:$0x90]  }
0x27: {  	v7 =	vld [tilespmem:$0x0]  }
0x28: {  	v8 =	vld [tilespmem:$0x110]  }
0x29: {  	v9 =	vld [tilespmem:$0xA0]  }
0x2a: {  	v10 =	vld [tilespmem:$0x120]  }
0x2b: {  	v11 =	vld [tilespmem:$0xB0];
	v3 =	vmul.u32 $0x3E8, v3;
	v4 =	vmul.u32 $0x14, v4  }
0x2c: {  	v12 =	vld [tilespmem:$0x130];
	v13 =	vshll.u32 v7, $0x2  }
0x2d: {  	v7 =	vand.u32 $0x7, v7;
	v13 =	vand.u32 $0xFFFFFFE0, v13;
	v3 =	vadd.s32 v3, v4;
	v4 =	vld [tilespmem:$0x190]  }
0x2e: {  	v14 =	vld [tilespmem:$0x1A0];
	v6 =	vmul.u32 $0x3E8, v6;
	v8 =	vmul.u32 $0x14, v8;
	v7 =	vor.u32 v7, v13  }
0x2f: {  	v3 =	vadd.s32 v5, v3;
	v5 =	vld [tilespmem:$0x1B0];
	v13 =	vperm.xlane v7, v0  }
0x30: {  	v6 =	vadd.s32 v6, v8;
	v8 =	vmul.u32 $0x3E8, v9;
	v9 =	vmul.u32 $0x14, v10  }
0x31: {  	v10 =	vmul.u32 $0x3E8, v11;
	v11 =	vmul.u32 $0x14, v12;
	v12 =	vadd.s32 v1, v13  }
0x32: {  	[tilespmem:$0x200] =	vst v3;
	v3 =	vadd.s32 v4, v6;
	v4 =	vadd.s32 v8, v9  }
0x33: {  	v6 =	vperm.xlane v7, v2;
	[tilespmem:$0x210] =	vst v3;
	v3 =	vadd.s32 v14, v4;
	v4 =	vadd.s32 v10, v11  }
0x34: {  	[tilespmem:$0x220] =	vst v3;
	v3 =	vadd.s32 v5, v4  }
0x35: {  	[tilespmem:$0x230] =	vst v3;
	v3 =	vadd.s32 v1, v6  }
0x36: {  	[tilespmem:s18], [sflag:$0x1] =	stream.indirect_vreg.gather [hbm4b:s8+s1], $0x80, v12, vm0, $0xb8;
	[tilespmem:$0x10280] =	vst v63  }
0x37: {  	s15 =	simm.s32 $0xA80  }
0x38: {  	[tilespmem:s15], [sflag:$0x1] =	stream.indirect_vreg.gather [hbm4b:s11+s1], $0x80, v12, vm0, $0xb8;
	[tilespmem:$0x10280] =	vst v63  }
0x39: {  	s16 =	simm.s32 $0x1280  }
0x3a: {  	[tilespmem:s16], [sflag:$0x1] =	stream.indirect_vreg.gather [hbm4b:s8+s1], $0x80, v3, vm0, $0xb8;
	[tilespmem:$0x10280] =	vst v63  }
0x3b: {  	s13 =	simm.s32 $0x1A80  }
0x3c: {  	[tilespmem:s13], [sflag:$0x1] =	stream.indirect_vreg.gather [hbm4b:s11+s1], $0x80, v3, vm0, $0xb8;
	[tilespmem:$0x10280] =	vst v63  }
0x3d: {  	v3 =	vld [tilespmem:$0x10];
	_ =	sdelay $0x4  }
0x3e: {  	v4 =	vshll.u32 v3, $0x2  }
0x3f: {  	v3 =	vand.u32 $0x7, v3;
	v4 =	vand.u32 $0xFFFFFFE0, v4  }
0x40: {  	v3 =	vor.u32 v3, v4  }
0x41: {  	v4 =	vperm.xlane v3, v0;
	_ =	sdelay $0x1  }
0x42: {  	v4 =	vadd.s32 v1, v4;
	_ =	sdelay $0x1  }
0x43: {  	v3 =	vperm.xlane v3, v2;
	_ =	sdelay $0x1  }
0x44: {  	s15 =	simm.s32 $0x2280;
	v3 =	vadd.s32 v1, v3  }
0x45: {  	[tilespmem:s15], [sflag:$0x1] =	stream.indirect_vreg.gather [hbm4b:s8+s1], $0x80, v4, vm0, $0xb8;
	[tilespmem:$0x10280] =	vst v63  }
0x46: {  	s16 =	simm.s32 $0x2A80  }
0x47: {  	[tilespmem:s16], [sflag:$0x1] =	stream.indirect_vreg.gather [hbm4b:s11+s1], $0x80, v4, vm0, $0xb8;
	[tilespmem:$0x10280] =	vst v63  }
0x48: {  	s13 =	simm.s32 $0x3280  }
0x49: {  	[tilespmem:s13], [sflag:$0x1] =	stream.indirect_vreg.gather [hbm4b:s8+s1], $0x80, v3, vm0, $0xb8;
	[tilespmem:$0x10280] =	vst v63  }
0x4a: {  	s15 =	simm.s32 $0x3A80  }
0x4b: {  	[tilespmem:s15], [sflag:$0x1] =	stream.indirect_vreg.gather [hbm4b:s11+s1], $0x80, v3, vm0, $0xb8;
	[tilespmem:$0x10280] =	vst v63  }
0x4c: {  	v3 =	vld [tilespmem:$0x20];
	_ =	sdelay $0x4  }
0x4d: {  	v4 =	vshll.u32 v3, $0x2  }
0x4e: {  	v3 =	vand.u32 $0x7, v3;
	v4 =	vand.u32 $0xFFFFFFE0, v4  }
0x4f: {  	v3 =	vor.u32 v3, v4  }
0x50: {  	v4 =	vperm.xlane v3, v0;
	_ =	sdelay $0x1  }
0x51: {  	v4 =	vadd.s32 v1, v4;
	_ =	sdelay $0x1  }
0x52: {  	v3 =	vperm.xlane v3, v2;
	_ =	sdelay $0x1  }
0x53: {  	s16 =	simm.s32 $0x4280;
	v3 =	vadd.s32 v1, v3  }
0x54: {  	[tilespmem:s16], [sflag:$0x1] =	stream.indirect_vreg.gather [hbm4b:s8+s1], $0x80, v4, vm0, $0xb8;
	[tilespmem:$0x10280] =	vst v63  }
0x55: {  	s13 =	simm.s32 $0x4A80  }
0x56: {  	[tilespmem:s13], [sflag:$0x1] =	stream.indirect_vreg.gather [hbm4b:s11+s1], $0x80, v4, vm0, $0xb8;
	[tilespmem:$0x10280] =	vst v63  }
0x57: {  	s15 =	simm.s32 $0x5280  }
0x58: {  	[tilespmem:s15], [sflag:$0x1] =	stream.indirect_vreg.gather [hbm4b:s8+s1], $0x80, v3, vm0, $0xb8;
	[tilespmem:$0x10280] =	vst v63  }
0x59: {  	s16 =	simm.s32 $0x5A80  }
0x5a: {  	[tilespmem:s16], [sflag:$0x1] =	stream.indirect_vreg.gather [hbm4b:s11+s1], $0x80, v3, vm0, $0xb8;
	[tilespmem:$0x10280] =	vst v63  }
0x5b: {  	v3 =	vld [tilespmem:$0x30];
	_ =	sdelay $0x4  }
0x5c: {  	v4 =	vshll.u32 v3, $0x2  }
0x5d: {  	v3 =	vand.u32 $0x7, v3;
	v4 =	vand.u32 $0xFFFFFFE0, v4  }
0x5e: {  	v3 =	vor.u32 v3, v4  }
0x5f: {  	v4 =	vperm.xlane v3, v0;
	_ =	sdelay $0x1  }
0x60: {  	v4 =	vadd.s32 v1, v4;
	_ =	sdelay $0x1  }
0x61: {  	v3 =	vperm.xlane v3, v2;
	_ =	sdelay $0x1  }
0x62: {  	s13 =	simm.s32 $0x6280;
	v3 =	vadd.s32 v1, v3  }
0x63: {  	[tilespmem:s13], [sflag:$0x1] =	stream.indirect_vreg.gather [hbm4b:s8+s1], $0x80, v4, vm0, $0xb8;
	[tilespmem:$0x10280] =	vst v63  }
0x64: {  	s15 =	simm.s32 $0x6A80  }
0x65: {  	[tilespmem:s15], [sflag:$0x1] =	stream.indirect_vreg.gather [hbm4b:s11+s1], $0x80, v4, vm0, $0xb8;
	[tilespmem:$0x10280] =	vst v63  }
0x66: {  	s16 =	simm.s32 $0x7280  }
0x67: {  	[tilespmem:s16], [sflag:$0x1] =	stream.indirect_vreg.gather [hbm4b:s8+s1], $0x80, v3, vm0, $0xb8;
	[tilespmem:$0x10280] =	vst v63  }
0x68: {  	s13 =	simm.s32 $0x7A80  }
0x69: {  	[tilespmem:s13], [sflag:$0x1] =	stream.indirect_vreg.gather [hbm4b:s11+s1], $0x80, v3, vm0, $0xb8;
	[tilespmem:$0x10280] =	vst v63  }
0x6a: {  	v3 =	vld [tilespmem:$0x200];
	_ =	sdelay $0x4  }
0x6b: {  	v4 =	vshll.u32 v3, $0x2  }
0x6c: {  	v3 =	vand.u32 $0x7, v3;
	v4 =	vand.u32 $0xFFFFFFE0, v4  }
0x6d: {  	v3 =	vor.u32 v3, v4  }
0x6e: {  	v4 =	vperm.xlane v3, v0;
	_ =	sdelay $0x1  }
0x6f: {  	v4 =	vadd.s32 v1, v4;
	_ =	sdelay $0x1  }
0x70: {  	v3 =	vperm.xlane v3, v2;
	_ =	sdelay $0x1  }
0x71: {  	s15 =	simm.s32 $0x8280;
	v3 =	vadd.s32 v1, v3  }
0x72: {  	[tilespmem:s15], [sflag:$0x1] =	stream.indirect_vreg.gather [hbm4b:s9+s1], $0x80, v4, vm0, $0xb8;
	[tilespmem:$0x10280] =	vst v63  }
0x73: {  	s16 =	simm.s32 $0x8A80  }
0x74: {  	[tilespmem:s16], [sflag:$0x1] =	stream.indirect_vreg.gather [hbm4b:s12+s1], $0x80, v4, vm0, $0xb8;
	[tilespmem:$0x10280] =	vst v63  }
0x75: {  	s13 =	simm.s32 $0x9280  }
0x76: {  	[tilespmem:s13], [sflag:$0x1] =	stream.indirect_vreg.gather [hbm4b:s9+s1], $0x80, v3, vm0, $0xb8;
	[tilespmem:$0x10280] =	vst v63  }
0x77: {  	s15 =	simm.s32 $0x9A80  }
0x78: {  	[tilespmem:s15], [sflag:$0x1] =	stream.indirect_vreg.gather [hbm4b:s12+s1], $0x80, v3, vm0, $0xb8;
	[tilespmem:$0x10280] =	vst v63  }
0x79: {  	v3 =	vld [tilespmem:$0x210];
	_ =	sdelay $0x4  }
0x7a: {  	v4 =	vshll.u32 v3, $0x2  }
0x7b: {  	v3 =	vand.u32 $0x7, v3;
	v4 =	vand.u32 $0xFFFFFFE0, v4  }
0x7c: {  	v3 =	vor.u32 v3, v4  }
0x7d: {  	v4 =	vperm.xlane v3, v0;
	_ =	sdelay $0x1  }
0x7e: {  	v4 =	vadd.s32 v1, v4;
	_ =	sdelay $0x1  }
0x7f: {  	v3 =	vperm.xlane v3, v2;
	_ =	sdelay $0x1  }
0x80: {  	v3 =	vadd.s32 v1, v3  }
0x81: {  	[tilespmem:s17], [sflag:$0x1] =	stream.indirect_vreg.gather [hbm4b:s9+s1], $0x80, v4, vm0, $0xb8;
	[tilespmem:$0x10280] =	vst v63  }
0x82: {  	_ = 	snop  }
0x83: {  	[tilespmem:s19], [sflag:$0x1] =	stream.indirect_vreg.gather [hbm4b:s12+s1], $0x80, v4, vm0, $0xb8;
	[tilespmem:$0x10280] =	vst v63  }
0x84: {  	_ = 	snop  }
0x85: {  	[tilespmem:s20], [sflag:$0x1] =	stream.indirect_vreg.gather [hbm4b:s9+s1], $0x80, v3, vm0, $0xb8;
	[tilespmem:$0x10280] =	vst v63  }
0x86: {  	_ = 	snop  }
0x87: {  	[tilespmem:s21], [sflag:$0x1] =	stream.indirect_vreg.gather [hbm4b:s12+s1], $0x80, v3, vm0, $0xb8;
	[tilespmem:$0x10280] =	vst v63  }
0x88: {  	v3 =	vld [tilespmem:$0x220];
	_ =	sdelay $0x4  }
0x89: {  	v4 =	vshll.u32 v3, $0x2  }
0x8a: {  	v3 =	vand.u32 $0x7, v3;
	v4 =	vand.u32 $0xFFFFFFE0, v4  }
0x8b: {  	v3 =	vor.u32 v3, v4  }
0x8c: {  	v4 =	vperm.xlane v3, v0;
	_ =	sdelay $0x1  }
0x8d: {  	v4 =	vadd.s32 v1, v4;
	_ =	sdelay $0x1  }
0x8e: {  	v3 =	vperm.xlane v3, v2;
	_ =	sdelay $0x1  }
0x8f: {  	v3 =	vadd.s32 v1, v3  }
0x90: {  	[tilespmem:s22], [sflag:$0x1] =	stream.indirect_vreg.gather [hbm4b:s9+s1], $0x80, v4, vm0, $0xb8;
	[tilespmem:$0x10280] =	vst v63  }
0x91: {  	_ = 	snop  }
0x92: {  	[tilespmem:s23], [sflag:$0x1] =	stream.indirect_vreg.gather [hbm4b:s12+s1], $0x80, v4, vm0, $0xb8;
	[tilespmem:$0x10280] =	vst v63  }
0x93: {  	_ = 	snop  }
0x94: {  	[tilespmem:s24], [sflag:$0x1] =	stream.indirect_vreg.gather [hbm4b:s9+s1], $0x80, v3, vm0, $0xb8;
	[tilespmem:$0x10280] =	vst v63  }
0x95: {  	_ = 	snop  }
0x96: {  	[tilespmem:s25], [sflag:$0x1] =	stream.indirect_vreg.gather [hbm4b:s12+s1], $0x80, v3, vm0, $0xb8;
	[tilespmem:$0x10280] =	vst v63  }
0x97: {  	v3 =	vld [tilespmem:$0x230];
	_ =	sdelay $0x4  }
0x98: {  	v4 =	vshll.u32 v3, $0x2  }
0x99: {  	v3 =	vand.u32 $0x7, v3;
	v4 =	vand.u32 $0xFFFFFFE0, v4  }
0x9a: {  	v3 =	vor.u32 v3, v4  }
0x9b: {  	v4 =	vperm.xlane v3, v0;
	_ =	sdelay $0x1  }
0x9c: {  	v4 =	vadd.s32 v1, v4;
	_ =	sdelay $0x1  }
0x9d: {  	v3 =	vperm.xlane v3, v2;
	_ =	sdelay $0x1  }
0x9e: {  	v3 =	vadd.s32 v1, v3  }
0x9f: {  	[tilespmem:s26], [sflag:$0x1] =	stream.indirect_vreg.gather [hbm4b:s9+s1], $0x80, v4, vm0, $0xb8;
	[tilespmem:$0x10280] =	vst v63  }
0xa0: {  	_ = 	snop  }
0xa1: {  	[tilespmem:s28], [sflag:$0x1] =	stream.indirect_vreg.gather [hbm4b:s12+s1], $0x80, v4, vm0, $0xb8;
	[tilespmem:$0x10280] =	vst v63  }
0xa2: {  	_ = 	snop  }
0xa3: {  	[tilespmem:s29], [sflag:$0x1] =	stream.indirect_vreg.gather [hbm4b:s9+s1], $0x80, v3, vm0, $0xb8;
	[tilespmem:$0x10280] =	vst v63  }
0xa4: {  	_ = 	snop  }
0xa5: {  	[tilespmem:s30], [sflag:$0x1] =	stream.indirect_vreg.gather [hbm4b:s12+s1], $0x80, v3, vm0, $0xb8;
	[tilespmem:$0x10280] =	vst v63  }
0xa6: {  	_ =	swait.ge [sflag:s31], $0x8000  }
0xa7: {  	[sflag:s31] =	ssyncset.done $0x0  }
0xa8: {  	[sflag:s31] =	ssyncadd.s32 $0xFFFF8000  }
0xa9: {  	_ =	swait.ge [sflag:s31], $0x8000  }
0xaa: {  	s16 =	sand.u32 $0x7000, s1;
	s1 =	sand.u32 $0x380, s1;
	[sflag:s31] =	ssyncset.done $0x0  }
0xab: {  	s13 =	sor.u32 s1, s16;
	[sflag:s31] =	ssyncadd.s32 $0xFFFF8000  }
0xac: {  	v10 =	vld [tilespmem:s13+$0x8280]  }
0xad: {  	v11 =	vld [tilespmem:s13+$0x8290]  }
0xae: {  	v12 =	vld [tilespmem:s13+$0x82A0]  }
0xaf: {  	v13 =	vld [tilespmem:s13+$0x82B0]  }
0xb0: {  	v14 =	vld [tilespmem:s13+$0x82C0]  }
0xb1: {  	v15 =	vld [tilespmem:s13+$0x82D0]  }
0xb2: {  	v16 =	vld [tilespmem:s13+$0x82E0]  }
0xb3: {  	v17 =	vld [tilespmem:s13+$0x82F0]  }
0xb4: {  	v18 =	vld [tilespmem:s13+$0x8680]  }
0xb5: {  	v19 =	vld [tilespmem:s13+$0x8690]  }
0xb6: {  	v20 =	vld [tilespmem:s13+$0x86A0]  }
0xb7: {  	v21 =	vld [tilespmem:s13+$0x86B0]  }
0xb8: {  	v22 =	vld [tilespmem:s13+$0x86C0]  }
0xb9: {  	v23 =	vld [tilespmem:s13+$0x86D0]  }
0xba: {  	v24 =	vld [tilespmem:s13+$0x86E0]  }
0xbb: {  	v25 =	vld [tilespmem:s13+$0x86F0]  }
0xbc: {  	v26 =	vld [tilespmem:s13+$0x8A80]  }
0xbd: {  	v27 =	vld [tilespmem:s13+$0x8A90]  }
0xbe: {  	v28 =	vld [tilespmem:s13+$0x8AA0]  }
0xbf: {  	v29 =	vld [tilespmem:s13+$0x8AB0]  }
0xc0: {  	v30 =	vld [tilespmem:s13+$0x8AC0]  }
0xc1: {  	v31 =	vld [tilespmem:s13+$0x8AD0]  }
0xc2: {  	v32 =	vld [tilespmem:s13+$0x8AE0]  }
0xc3: {  	v33 =	vld [tilespmem:s13+$0x8AF0]  }
0xc4: {  	v34 =	vld [tilespmem:s13+$0x8E80]  }
0xc5: {  	v9 =	vld [tilespmem:s13+$0x8E90]  }
0xc6: {  	v8 =	vld [tilespmem:s13+$0x8EA0]  }
0xc7: {  	v7 =	vld [tilespmem:s13+$0x8EB0]  }
0xc8: {  	v6 =	vld [tilespmem:s13+$0x8EC0]  }
0xc9: {  	v5 =	vld [tilespmem:s13+$0x8ED0]  }
0xca: {  	v4 =	vld [tilespmem:s13+$0x8EE0]  }
0xcb: {  	v3 =	vld [tilespmem:s13+$0x8EF0]  }
0xcc: {  	v35 =	vld [tilespmem:s13+$0x280]  }
0xcd: {  	v36 =	vld [tilespmem:s13+$0x290]  }
0xce: {  	v37 =	vld [tilespmem:s13+$0x2A0]  }
0xcf: {  	v38 =	vld [tilespmem:s13+$0x2B0]  }
0xd0: {  	v39 =	vld [tilespmem:s13+$0x2C0]  }
0xd1: {  	v62 =	vld [tilespmem:s13+$0x2D0];
	v10 =	vadd.f32 v10, v35  }
0xd2: {  	v63 =	vld [tilespmem:s13+$0x2E0];
	v11 =	vadd.f32 v11, v36  }
0xd3: {  	[tilespmem:s13+$0x280] =	vst v10;
	v10 =	vadd.f32 v12, v37;
	v12 =	vld [tilespmem:s13+$0x2F0]  }
0xd4: {  	[tilespmem:s13+$0x290] =	vst v11;
	v11 =	vadd.f32 v13, v38;
	v13 =	vld [tilespmem:s13+$0x680]  }
0xd5: {  	[tilespmem:s13+$0x2A0] =	vst v10;
	v10 =	vadd.f32 v14, v39;
	v14 =	vld [tilespmem:s13+$0x690]  }
0xd6: {  	[tilespmem:s13+$0x2B0] =	vst v11;
	v11 =	vadd.f32 v15, v62;
	v15 =	vld [tilespmem:s13+$0x6A0]  }
0xd7: {  	[tilespmem:s13+$0x2C0] =	vst v10;
	v10 =	vadd.f32 v16, v63;
	v16 =	vld [tilespmem:s13+$0x6B0]  }
0xd8: {  	[tilespmem:s13+$0x2D0] =	vst v11;
	v11 =	vadd.f32 v17, v12;
	v12 =	vld [tilespmem:s13+$0x6C0]  }
0xd9: {  	[tilespmem:s13+$0x2E0] =	vst v10;
	v10 =	vadd.f32 v18, v13;
	v13 =	vld [tilespmem:s13+$0x6D0]  }
0xda: {  	[tilespmem:s13+$0x2F0] =	vst v11;
	v11 =	vadd.f32 v19, v14;
	v14 =	vld [tilespmem:s13+$0x6E0]  }
0xdb: {  	[tilespmem:s13+$0x680] =	vst v10;
	v10 =	vadd.f32 v20, v15;
	v15 =	vld [tilespmem:s13+$0x6F0]  }
0xdc: {  	[tilespmem:s13+$0x690] =	vst v11;
	v11 =	vadd.f32 v21, v16;
	v16 =	vld [tilespmem:s13+$0xA80]  }
0xdd: {  	[tilespmem:s13+$0x6A0] =	vst v10;
	v10 =	vadd.f32 v22, v12;
	v12 =	vld [tilespmem:s13+$0xA90]  }
0xde: {  	[tilespmem:s13+$0x6B0] =	vst v11;
	v11 =	vadd.f32 v23, v13;
	v13 =	vld [tilespmem:s13+$0xAA0]  }
0xdf: {  	[tilespmem:s13+$0x6C0] =	vst v10;
	v10 =	vadd.f32 v24, v14;
	v14 =	vld [tilespmem:s13+$0xAB0]  }
0xe0: {  	[tilespmem:s13+$0x6D0] =	vst v11;
	v11 =	vadd.f32 v25, v15;
	v15 =	vld [tilespmem:s13+$0xAC0]  }
0xe1: {  	[tilespmem:s13+$0x6E0] =	vst v10;
	v10 =	vadd.f32 v26, v16;
	v16 =	vld [tilespmem:s13+$0xAD0]  }
0xe2: {  	v17 =	vld [tilespmem:s13+$0xAE0];
	[tilespmem:s13+$0x6F0] =	vst v11;
	v11 =	vadd.f32 v27, v12  }
0xe3: {  	v18 =	vld [tilespmem:s13+$0xAF0];
	[tilespmem:s13+$0xA80] =	vst v10;
	v10 =	vadd.f32 v28, v13  }
0xe4: {  	[tilespmem:s13+$0xA90] =	vst v11;
	v11 =	vadd.f32 v29, v14;
	v14 =	vld [tilespmem:s13+$0xE80]  }
0xe5: {  	v13 =	vld [tilespmem:s13+$0xE90];
	[tilespmem:s13+$0xAA0] =	vst v10;
	v10 =	vadd.f32 v30, v15  }
0xe6: {  	v12 =	vld [tilespmem:s13+$0xEA0];
	[tilespmem:s13+$0xAB0] =	vst v11;
	v11 =	vadd.f32 v31, v16  }
0xe7: {  	v15 =	vadd.f32 v32, v17;
	[tilespmem:s13+$0xAC0] =	vst v10;
	v10 =	vld [tilespmem:s13+$0xEB0]  }
0xe8: {  	v16 =	vadd.f32 v33, v18;
	[tilespmem:s13+$0xAD0] =	vst v11;
	v11 =	vld [tilespmem:s13+$0xEC0]  }
0xe9: {  	s2 =	simm.s32 $0x200;
	s1 =	simm.s32 $0x80;
	[tilespmem:s13+$0xAE0] =	vst v15;
	v15 =	vadd.f32 v34, v14;
	v14 =	vld [tilespmem:s13+$0xED0]  }
.LBB2_3:
0xea: {  	s15 =	sand.u32 $0x7000, s2;
	s16 =	sand.u32 $0x380, s1;
	p0 =	sne.s32 s2, $0x7E00;
	[tilespmem:s13+$0xAF0] =	vst v16;
	v9 =	vadd.f32 v9, v13;
	v13 =	vld [tilespmem:s13+$0xEE0]  }
0xeb: {  	s15 =	sor.u32 s16, s15;
	[tilespmem:s13+$0xE80] =	vst v15;
	v8 =	vadd.f32 v8, v12;
	v12 =	vld [tilespmem:s13+$0xEF0]  }
0xec: {  	v15 =	vld [tilespmem:s15+$0x8280];
	[tilespmem:s13+$0xE90] =	vst v9;
	v7 =	vadd.f32 v7, v10  }
0xed: {  	v10 =	vld [tilespmem:s15+$0x8290];
	[tilespmem:s13+$0xEA0] =	vst v8;
	v6 =	vadd.f32 v6, v11  }
0xee: {  	v11 =	vld [tilespmem:s15+$0x82A0];
	[tilespmem:s13+$0xEB0] =	vst v7;
	v5 =	vadd.f32 v5, v14  }
0xef: {  	v14 =	vld [tilespmem:s15+$0x82B0];
	[tilespmem:s13+$0xEC0] =	vst v6;
	v4 =	vadd.f32 v4, v13  }
0xf0: {  	v13 =	vld [tilespmem:s15+$0x82C0];
	[tilespmem:s13+$0xED0] =	vst v5;
	v3 =	vadd.f32 v3, v12  }
0xf1: {  	v12 =	vld [tilespmem:s15+$0x82D0];
	[tilespmem:s13+$0xEE0] =	vst v4  }
0xf2: {  	v16 =	vld [tilespmem:s15+$0x82E0];
	[tilespmem:s13+$0xEF0] =	vst v3;
	s13 =	smov.u32 s15  }
0xf3: {  	v17 =	vld [tilespmem:s13+$0x82F0]  }
0xf4: {  	v18 =	vld [tilespmem:s13+$0x8680]  }
0xf5: {  	v19 =	vld [tilespmem:s13+$0x8690]  }
0xf6: {  	v20 =	vld [tilespmem:s13+$0x86A0]  }
0xf7: {  	v21 =	vld [tilespmem:s13+$0x86B0]  }
0xf8: {  	v22 =	vld [tilespmem:s13+$0x86C0]  }
0xf9: {  	v23 =	vld [tilespmem:s13+$0x86D0]  }
0xfa: {  	v24 =	vld [tilespmem:s13+$0x86E0]  }
0xfb: {  	v25 =	vld [tilespmem:s13+$0x86F0]  }
0xfc: {  	v26 =	vld [tilespmem:s13+$0x8A80]  }
0xfd: {  	v27 =	vld [tilespmem:s13+$0x8A90]  }
0xfe: {  	v28 =	vld [tilespmem:s13+$0x8AA0]  }
0xff: {  	v29 =	vld [tilespmem:s13+$0x8AB0]  }
0x100: {  	v30 =	vld [tilespmem:s13+$0x8AC0]  }
0x101: {  	v31 =	vld [tilespmem:s13+$0x8AD0]  }
0x102: {  	v32 =	vld [tilespmem:s13+$0x8AE0]  }
0x103: {  	v33 =	vld [tilespmem:s13+$0x8AF0]  }
0x104: {  	v34 =	vld [tilespmem:s13+$0x8E80]  }
0x105: {  	v9 =	vld [tilespmem:s13+$0x8E90]  }
0x106: {  	v8 =	vld [tilespmem:s13+$0x8EA0]  }
0x107: {  	v7 =	vld [tilespmem:s13+$0x8EB0]  }
0x108: {  	v6 =	vld [tilespmem:s13+$0x8EC0]  }
0x109: {  	v5 =	vld [tilespmem:s13+$0x8ED0]  }
0x10a: {  	v4 =	vld [tilespmem:s13+$0x8EE0]  }
0x10b: {  	v3 =	vld [tilespmem:s13+$0x8EF0]  }
0x10c: {  	v35 =	vld [tilespmem:s13+$0x280]  }
0x10d: {  	v36 =	vld [tilespmem:s13+$0x290]  }
0x10e: {  	v37 =	vld [tilespmem:s13+$0x2A0]  }
0x10f: {  	v38 =	vld [tilespmem:s13+$0x2B0]  }
0x110: {  	v39 =	vld [tilespmem:s13+$0x2C0]  }
0x111: {  	v15 =	vadd.f32 v15, v35;
	v35 =	vld [tilespmem:s13+$0x2D0]  }
0x112: {  	v10 =	vadd.f32 v10, v36;
	v36 =	vld [tilespmem:s13+$0x2E0]  }
0x113: {  	[tilespmem:s13+$0x280] =	vst v15;
	v11 =	vadd.f32 v11, v37;
	v15 =	vld [tilespmem:s13+$0x2F0]  }
0x114: {  	[tilespmem:s13+$0x290] =	vst v10;
	v10 =	vadd.f32 v14, v38;
	v14 =	vld [tilespmem:s13+$0x680]  }
0x115: {  	[tilespmem:s13+$0x2A0] =	vst v11;
	v11 =	vadd.f32 v13, v39;
	v13 =	vld [tilespmem:s13+$0x690]  }
0x116: {  	[tilespmem:s13+$0x2B0] =	vst v10;
	v10 =	vadd.f32 v12, v35;
	v12 =	vld [tilespmem:s13+$0x6A0]  }
0x117: {  	[tilespmem:s13+$0x2C0] =	vst v11;
	v11 =	vadd.f32 v16, v36;
	v16 =	vld [tilespmem:s13+$0x6B0]  }
0x118: {  	[tilespmem:s13+$0x2D0] =	vst v10;
	v10 =	vadd.f32 v17, v15;
	v15 =	vld [tilespmem:s13+$0x6C0]  }
0x119: {  	[tilespmem:s13+$0x2E0] =	vst v11;
	v11 =	vadd.f32 v18, v14;
	v14 =	vld [tilespmem:s13+$0x6D0]  }
0x11a: {  	[tilespmem:s13+$0x2F0] =	vst v10;
	v10 =	vadd.f32 v19, v13;
	v13 =	vld [tilespmem:s13+$0x6E0]  }
0x11b: {  	[tilespmem:s13+$0x680] =	vst v11;
	v11 =	vadd.f32 v20, v12;
	v12 =	vld [tilespmem:s13+$0x6F0]  }
0x11c: {  	[tilespmem:s13+$0x690] =	vst v10;
	v10 =	vadd.f32 v21, v16;
	v16 =	vld [tilespmem:s13+$0xA80]  }
0x11d: {  	[tilespmem:s13+$0x6A0] =	vst v11;
	v11 =	vadd.f32 v22, v15;
	v15 =	vld [tilespmem:s13+$0xA90]  }
0x11e: {  	[tilespmem:s13+$0x6B0] =	vst v10;
	v10 =	vadd.f32 v23, v14;
	v14 =	vld [tilespmem:s13+$0xAA0]  }
0x11f: {  	[tilespmem:s13+$0x6C0] =	vst v11;
	v11 =	vadd.f32 v24, v13;
	v13 =	vld [tilespmem:s13+$0xAB0]  }
0x120: {  	[tilespmem:s13+$0x6D0] =	vst v10;
	v10 =	vadd.f32 v25, v12;
	v12 =	vld [tilespmem:s13+$0xAC0]  }
0x121: {  	[tilespmem:s13+$0x6E0] =	vst v11;
	v11 =	vadd.f32 v26, v16;
	v16 =	vld [tilespmem:s13+$0xAD0]  }
0x122: {  	[tilespmem:s13+$0x6F0] =	vst v10;
	v10 =	vadd.f32 v27, v15;
	v15 =	vld [tilespmem:s13+$0xAE0]  }
0x123: {  	[tilespmem:s13+$0xA80] =	vst v11;
	v11 =	vadd.f32 v28, v14;
	v14 =	vld [tilespmem:s13+$0xAF0]  }
0x124: {  	[tilespmem:s13+$0xA90] =	vst v10;
	v10 =	vadd.f32 v29, v13;
	v17 =	vld [tilespmem:s13+$0xE80]  }
.Ltmp0:
0x125: {  	[tilespmem:s13+$0xAA0] =	vst v11;
	v11 =	vadd.f32 v30, v12;
	v13 =	vld [tilespmem:s13+$0xE90];
	(pc) =	sbr.rel @p0 .LBB2_3-.Ltmp0, $4  }
0x126: {  	[tilespmem:s13+$0xAB0] =	vst v10;
	v16 =	vadd.f32 v31, v16;
	v12 =	vld [tilespmem:s13+$0xEA0]  }
0x127: {  	[tilespmem:s13+$0xAC0] =	vst v11;
	v15 =	vadd.f32 v32, v15;
	v10 =	vld [tilespmem:s13+$0xEB0]  }
0x128: {  	[tilespmem:s13+$0xAD0] =	vst v16;
	v16 =	vadd.f32 v33, v14;
	v11 =	vld [tilespmem:s13+$0xEC0]  }
0x129: {  	s1 =	sadd.s32 $0x80, s1;
	s2 =	sadd.s32 $0x200, s2;
	[tilespmem:s13+$0xAE0] =	vst v15;
	v15 =	vadd.f32 v34, v17;
	v14 =	vld [tilespmem:s13+$0xED0]  }
0x12a: {  	[tilespmem:s13+$0xAF0] =	vst v16;
	v9 =	vadd.f32 v9, v13;
	v62 =	vld [tilespmem:s13+$0xEE0]  }
0x12b: {  	v63 =	vld [tilespmem:s13+$0xEF0];
	[tilespmem:s13+$0xE80] =	vst v15;
	v8 =	vadd.f32 v8, v12  }
0x12c: {  	[tilespmem:s13+$0xE90] =	vst v9;
	v7 =	vadd.f32 v7, v10  }
0x12d: {  	[tilespmem:s13+$0xEA0] =	vst v8;
	v6 =	vadd.f32 v6, v11  }
0x12e: {  	[tilespmem:s13+$0xEB0] =	vst v7;
	v5 =	vadd.f32 v5, v14  }
0x12f: {  	[tilespmem:s13+$0xEC0] =	vst v6;
	v4 =	vadd.f32 v4, v62  }
0x130: {  	s0 =	sadd.s32 $0x1, s0;
	v3 =	vadd.f32 v3, v63;
	[tilespmem:s13+$0xED0] =	vst v5  }
0x131: {  	s1 =	sshll.u32 s4, $0x6;
	s2 =	rddreg [dreg:$0x1];
	p0 =	sne.s32 s0, $0x64;
	[tilespmem:s13+$0xEE0] =	vst v4  }
.Ltmp1:
0x132: {  	s16 =	simm.s32 $0x0;
	s1 =	sadd.s32 s2, s1;
	[tilespmem:s13+$0xEF0] =	vst v3;
	(pc) =	sbr.rel @p0 .LBB2_2-.Ltmp1, $4  }
0x133: {  	[hbm4b:s1+s16] =	stream.linear.scatter [tilespmem:s18], [sflag:$0x2], $0x8000, $0x38;
	[tilespmem:$0x10280] =	vst v63  }
0x134: {  	_ =	swait.ge [sflag:s14], $0x8000  }
0x135: {  	[sflag:s14] =	ssyncset.done $0x0  }
0x136: {  	[sflag:s14] =	ssyncadd.s32 $0xFFFF8000  }
0x137: {  	s1 =	rddreg [dreg:$0x4]  }
0x138: {  	s0 =	rddreg [dreg:$0x3];
	s1 =	sadd.s32 $0x1, s1  }
0x139: {  	p0 =	sne.s32 s1, s0  }
.Ltmp2:
0x13a: {  	_ = 	snop;
	(pc) =	sbr.rel @p0 .LBB2_1-.Ltmp2, $1  }
0x13b: {  	_ =	sdelay $0x3  }
0x13c: {  	_ =	sfence.sel $0x180000  }
0x13d: {  	[bflag:$0x0] =	sbarrier.arrive $0xFFFF  }
0x13e: {  	_ =	strace $0x90000047  }
0x13f: {  	s0 =	stileid.u32;
	[bflag:$0x2] =	sbarrier.arrive $0xFFFF  }
0x140: {  	p0 =	sne.s32 s0, $0x0;
	s0 =	rddreg [dreg:$0x2]  }
0x141: {  	s0 =	sadd.s32 @!p0 $0x100000, s0  }
0x142: {  	[sflag:s0] =	ssyncadd.tile.s32 @!p0 $0x1;
	_ =	shalt  }
.Lfunc_end2:
_tile_overlayer_lowered:
.L_overlay_start_2:
0x143: {  	(tag) =	ssettag $0x2  }
0x144: {  	s0 =	rddreg [dreg:$0x0];
	s2 =	stileid.u32  }
0x145: {  	s1 =	rddreg [dreg:$0x1];
	p0 =	sne.s32 s2, $0x0  }
0x146: {  	s3 =	rddreg [dreg:$0x2];
	[bflag:$0x3] =	sbarrier.arrive $0xFFFF;
	s2 =	simm.s32 @!p0 $0x1C02  }
0x147: {  	[timem:s3], [sflag:s2] =	dma.local @!p0 [hbm:s0], s1  }
0x148: {  	s0 =	simm.s32 @!p0 $0x2  }
0x149: {  	_ =	swait.ge @!p0 [sflag:s0], s1  }
0x14a: {  	s1 =	ssub.s32 @!p0 $0x0, s1;
	[sflag:s0] =	ssyncset.done @!p0 $0x0  }
0x14b: {  	[sflag:s0] =	ssyncadd.s32 @!p0 s1  }
0x14c: {  	[bflag:$0x3] =	sbarrier.arrive $0xFFFF  }
0x14d: {  	_ =	shalt  }

</sc_bundles>
